<compile_context>
chip_gen: v7x
topology: tpu7x:2x2x1
jax: 0.10.2.dev20260603
libtpu: 0.0.44.dev20260713+nightly
codegen_flags: <defaults>
</compile_context>

<pallas_src>
import functools

import jax
import jax.numpy as jnp
from jax import lax
from jax.experimental import pallas as pl
from jax.experimental.pallas import tpu as pltpu
from jax.experimental.pallas import tpu_sc as plsc

NN = 10000
EE = 160000
G = 64
DIN = 768
DH = 128
DOUT = 20

NP = 10240
EP = 163840
CH = 128
NC = 2
NS = 16
NW = NC * NS
CPW = EP // CH // NW
RPS = NP // NS

_sc_mesh = plsc.VectorSubcoreMesh(core_axis_name="c", subcore_axis_name="s",
                                  num_cores=NC, num_subcores=NS)



@functools.partial(
    pl.kernel,
    out_type=jax.ShapeDtypeStruct((NC, NP), jnp.float32),
    mesh=_sc_mesh,
    scratch_types=[
        pltpu.VMEM((CPW, CH), jnp.int32),
        pltpu.VMEM((CH,), jnp.float32),
        pltpu.VMEM_SHARED((NP,), jnp.float32),
    ],
)
def _deg_kernel(colp2, zeros1, out, cidx, ones_v, deg_sh):
    c = lax.axis_index("c")
    s = lax.axis_index("s")
    w = s * NC + c
    for i in range(CH // 16):
        ones_v[pl.ds(i * 16, 16)] = jnp.ones((16,), jnp.float32)
    pltpu.sync_copy(zeros1.at[pl.ds(s * RPS, RPS)],
                    deg_sh.at[pl.ds(s * RPS, RPS)])
    pltpu.sync_copy(colp2.at[pl.ds(w * CPW, CPW)], cidx)
    plsc.subcore_barrier()

    def body(k, carry):
        pltpu.sync_copy(ones_v, deg_sh.at[cidx.at[k]], add=True)
        return carry

    lax.fori_loop(0, CPW, body, 0)
    plsc.subcore_barrier()
    pltpu.sync_copy(deg_sh.at[pl.ds(s * RPS, RPS)],
                    out.at[c, pl.ds(s * RPS, RPS)])



CHA = 128
CPWA = EP // CHA // NW
NBUF = 2
NG = CPWA // NBUF


@functools.partial(
    pl.kernel,
    out_type=jax.ShapeDtypeStruct((NC, NP, DH), jnp.float32),
    mesh=_sc_mesh,
    scratch_types=[
        pltpu.VMEM((CPWA, CHA), jnp.int32),
        pltpu.VMEM((CPWA, CHA), jnp.int32),
        pltpu.VMEM((NBUF, CHA, DH), jnp.float32),
        pltpu.VMEM_SHARED((NP, DH), jnp.float32),
        [pltpu.SemaphoreType.DMA] * NBUF,
    ],
)
def _agg_kernel(hs, rowp2, colp2, zeros2, out, ridx, cidx, rows_v, acc_sh,
                gsems):
    c = lax.axis_index("c")
    s = lax.axis_index("s")
    w = s * NC + c
    pltpu.sync_copy(zeros2.at[pl.ds(s * RPS, RPS)],
                    acc_sh.at[pl.ds(s * RPS, RPS)])
    pltpu.sync_copy(rowp2.at[pl.ds(w * CPWA, CPWA)], ridx)
    pltpu.sync_copy(colp2.at[pl.ds(w * CPWA, CPWA)], cidx)
    plsc.subcore_barrier()

    for b in range(NBUF):
        pltpu.async_copy(hs.at[ridx.at[b]], rows_v.at[b], gsems[b])

    def group(g, carry):
        for b in range(NBUF):
            k = g * NBUF + b
            pltpu.make_async_copy(hs.at[ridx.at[k]], rows_v.at[b],
                                  gsems[b]).wait()
            pltpu.sync_copy(rows_v.at[b], acc_sh.at[cidx.at[k]], add=True)

            @pl.when(k + NBUF < CPWA)
            def _():
                pltpu.async_copy(hs.at[ridx.at[k + NBUF]], rows_v.at[b],
                                 gsems[b])
        return carry

    lax.fori_loop(0, NG, group, 0)
    plsc.subcore_barrier()
    pltpu.sync_copy(acc_sh.at[pl.ds(s * RPS, RPS)],
                    out.at[c, pl.ds(s * RPS, RPS)])



_RB = 1000


def _mm1_body(xb, dgb, W1b, hsb, dvb):
    dv = lax.rsqrt(dgb[:, 0:1] + dgb[:, 1:2] + 1.0)
    h = jnp.dot(xb[...], W1b[...], preferred_element_type=jnp.float32)
    hsb[...] = h * dv
    dvb[...] = dv


def _mm1_call(x, degp_t, W1):
    return pl.pallas_call(
        _mm1_body,
        grid=(NN // _RB,),
        in_specs=[
            pl.BlockSpec((_RB, DIN), lambda i: (i, 0)),
            pl.BlockSpec((_RB, NC), lambda i: (i, 0)),
            pl.BlockSpec((DIN, DH), lambda i: (0, 0)),
        ],
        out_specs=[
            pl.BlockSpec((_RB, DH), lambda i: (i, 0)),
            pl.BlockSpec((_RB, 1), lambda i: (i, 0)),
        ],
        out_shape=[
            jax.ShapeDtypeStruct((NN, DH), jnp.float32),
            jax.ShapeDtypeStruct((NN, 1), jnp.float32),
        ],
    )(x, degp_t, W1)



def _mm2_body(pb, hsb, dvb, b1b, W2b, outb):
    t = jnp.maximum((pb[0] + pb[1] + hsb[...]) * dvb[...] + b1b[...], 0.0)
    outb[...] = jnp.dot(t, W2b[...], preferred_element_type=jnp.float32) * dvb[...]


def _mm2_call(p1, h1s, dinv, b1, W2):
    return pl.pallas_call(
        _mm2_body,
        grid=(NN // _RB,),
        in_specs=[
            pl.BlockSpec((NC, _RB, DH), lambda i: (0, i, 0)),
            pl.BlockSpec((_RB, DH), lambda i: (i, 0)),
            pl.BlockSpec((_RB, 1), lambda i: (i, 0)),
            pl.BlockSpec((1, DH), lambda i: (0, 0)),
            pl.BlockSpec((DH, DH), lambda i: (0, 0)),
        ],
        out_specs=pl.BlockSpec((_RB, DH), lambda i: (i, 0)),
        out_shape=jax.ShapeDtypeStruct((NN, DH), jnp.float32),
    )(p1, h1s, dinv, b1, W2)



def _pool_body(pb, hsb, dvb, b2b, batchb, Wcb, bcb, outb, acc_s, acc_c):
    i = pl.program_id(0)

    @pl.when(i == 0)
    def _():
        acc_s[...] = jnp.zeros_like(acc_s)
        acc_c[...] = jnp.zeros_like(acc_c)

    h3 = jnp.maximum((pb[0] + pb[1] + hsb[...]) * dvb[...] + b2b[...], 0.0)
    oh = (batchb[...] == lax.broadcasted_iota(jnp.int32, (1, G), 1))
    oh = oh.astype(jnp.float32)
    acc_s[...] += lax.dot_general(oh, h3, (((0,), (0,)), ((), ())),
                                  preferred_element_type=jnp.float32)
    ones_col = jnp.ones((_RB, 1), jnp.float32)
    acc_c[...] += lax.dot_general(oh, ones_col, (((0,), (0,)), ((), ())),
                                  preferred_element_type=jnp.float32)

    @pl.when(i == pl.num_programs(0) - 1)
    def _():
        pooled = acc_s[...] / jnp.maximum(acc_c[...], 1.0)
        outb[...] = jnp.dot(pooled, Wcb[...],
                            preferred_element_type=jnp.float32) + bcb[...]


def _pool_call(p2, h2s, dinv, b2, batch2d, Wc, bc):
    return pl.pallas_call(
        _pool_body,
        grid=(NN // _RB,),
        in_specs=[
            pl.BlockSpec((NC, _RB, DH), lambda i: (0, i, 0)),
            pl.BlockSpec((_RB, DH), lambda i: (i, 0)),
            pl.BlockSpec((_RB, 1), lambda i: (i, 0)),
            pl.BlockSpec((1, DH), lambda i: (0, 0)),
            pl.BlockSpec((_RB, 1), lambda i: (i, 0)),
            pl.BlockSpec((DH, DOUT), lambda i: (0, 0)),
            pl.BlockSpec((1, DOUT), lambda i: (0, 0)),
        ],
        out_specs=pl.BlockSpec((G, DOUT), lambda i: (0, 0)),
        out_shape=jax.ShapeDtypeStruct((G, DOUT), jnp.float32),
        scratch_shapes=[
            pltpu.VMEM((G, DH), jnp.float32),
            pltpu.VMEM((G, 1), jnp.float32),
        ],
    )(p2, h2s, dinv, b2, batch2d, Wc, bc)



def kernel(x, edge_index, batch, W1, b1, W2, b2, Wc, bc):
    row = edge_index[0]
    col = edge_index[1]
    pad = EP - EE
    rowp1 = jnp.concatenate([row, jnp.zeros((pad,), row.dtype)])
    colp1 = jnp.concatenate([col, jnp.full((pad,), NP - 1, col.dtype)])
    rowp = rowp1.reshape(EP // CHA, CHA)
    colp = colp1.reshape(EP // CHA, CHA)
    colp_d = colp1.reshape(EP // CH, CH)
    zeros1 = jnp.zeros((NP,), jnp.float32)
    zeros2 = jnp.zeros((NP, DH), jnp.float32)

    degp = _deg_kernel(colp_d, zeros1)
    degp_t = jnp.transpose(degp)[:NN]

    h1s, dinv = _mm1_call(x, degp_t, W1)
    p1 = _agg_kernel(h1s, rowp, colp, zeros2)
    h2s = _mm2_call(p1, h1s, dinv, b1.reshape(1, -1), W2)
    p2 = _agg_kernel(h2s, rowp, colp, zeros2)
    out = _pool_call(p2, h2s, dinv, b2.reshape(1, -1),
                     batch.reshape(-1, 1), Wc, bc.reshape(1, -1))
    return out.reshape(-1)

# --- scband reference (transcript-rebuilt; emitter-appended) ---
"""Pipeline reference for scband-gcn-model1-23081154249329 (READ-ONLY COPY).

The authoritative reference and input builder live on the scoring server;
editing this copy changes nothing except your own understanding.
"""

import jax, jax.numpy as jnp
import numpy as np

N = 10000
E = 160000
NUM_GRAPHS = 64
D_IN = 768
D_H = 128
D_OUT = 20


def gcn_conv(x, W, b, edge_index):
    # PyG GCNConv: add self-loops, symmetric normalization D^-1/2 (A+I) D^-1/2 X W + b
    n = x.shape[0]
    loops = jnp.arange(n, dtype=edge_index.dtype)
    row = jnp.concatenate([edge_index[0], loops])  # source
    col = jnp.concatenate([edge_index[1], loops])  # target (aggregation)
    deg = jax.ops.segment_sum(jnp.ones(row.shape[0], jnp.float32), col, num_segments=n)
    dinv = jnp.where(deg > 0, 1.0 / jnp.sqrt(deg), 0.0)
    norm = dinv[row] * dinv[col]
    h = x @ W
    msg = h[row] * norm[:, None]
    out = jax.ops.segment_sum(msg, col, num_segments=n)
    return out + b


def setup_inputs(seed: int = 0) -> dict:
    key = jax.random.key(seed)
    ks = jax.random.split(key, 10)
    x = jax.random.normal(ks[0], (N, D_IN), jnp.float32)
    edge_index = jax.random.randint(ks[1], (2, E), 0, N, jnp.int32)
    batch = jnp.sort(jax.random.randint(ks[2], (N,), 0, NUM_GRAPHS, jnp.int32))
    W1 = jax.random.normal(ks[3], (D_IN, D_H), jnp.float32) * (1.0 / np.sqrt(D_IN))
    b1 = jnp.zeros((D_H,), jnp.float32)
    W2 = jax.random.normal(ks[4], (D_H, D_H), jnp.float32) * (1.0 / np.sqrt(D_H))
    b2 = jnp.zeros((D_H,), jnp.float32)
    Wc = jax.random.normal(ks[5], (D_H, D_OUT), jnp.float32) * (1.0 / np.sqrt(D_H))
    bc = jnp.zeros((D_OUT,), jnp.float32)
    return {"x": x, "edge_index": edge_index, "batch": batch,
            "W1": W1, "b1": b1, "W2": W2, "b2": b2, "Wc": Wc, "bc": bc}


def reference(x, edge_index, batch, W1, b1, W2, b2, Wc, bc):
    h = jax.nn.relu(gcn_conv(x, W1, b1, edge_index))
    h = jax.nn.relu(gcn_conv(h, W2, b2, edge_index))
    # global_mean_pool over batch segment ids
    s = jax.ops.segment_sum(h, batch, num_segments=NUM_GRAPHS)
    cnt = jax.ops.segment_sum(jnp.ones((h.shape[0],), jnp.float32), batch, num_segments=NUM_GRAPHS)
    pooled = s / jnp.clip(cnt, 1.0, None)[:, None]
    out = pooled @ Wc + bc
    return out.reshape(-1)

if __name__ == "__main__":
    import jax
    _d = setup_inputs()
    print(jax.jit(kernel)(*tuple(_d.values())))

</pallas_src>

<mosaic_0001>
#map = affine_map<(d0, d1) -> (0, 0)>
#map1 = affine_map<(d0, d1) -> (0, 0, 0)>
module attributes {stable_mosaic.version = 14 : i64} {
  func.func @_agg_kernel(%arg0: i32, %arg1: i32, %arg2: memref<10000x128xf32, #tpu.memory_space<hbm>>, %arg3: memref<1280x128xi32, #tpu.memory_space<hbm>>, %arg4: memref<1280x128xi32, #tpu.memory_space<hbm>>, %arg5: memref<10240x128xf32, #tpu.memory_space<hbm>>, %arg6: memref<2x10240x128xf32, #tpu.memory_space<hbm>>, %arg7: memref<40x128xi32, #tpu.memory_space<vmem>>, %arg8: memref<40x128xi32, #tpu.memory_space<vmem>>, %arg9: memref<2x128x128xf32, #tpu.memory_space<vmem>>, %arg10: memref<10240x128xf32, #tpu.memory_space<vmem_shared>>, %arg11: memref<!tpu.dma_semaphore, #tpu.memory_space<semaphore_mem>>, %arg12: memref<!tpu.dma_semaphore, #tpu.memory_space<semaphore_mem>>) attributes {dimension_semantics = [#tpu.dimension_semantics<core_parallel>, #tpu.dimension_semantics<subcore_parallel>], iteration_bounds = array<i64: 2, 16>, scalar_prefetch = 0 : i64, scratch_operands = 6 : i64, tpu.core_type = #tpu.core_type<sc_vector_subcore>, window_params = [{transform_indices = #map}, {transform_indices = #map}, {transform_indices = #map}, {transform_indices = #map}, {transform_indices = #map1}]} {
    %mul3A = arith.constant 2 : i32
    %mul3A_0 = arith.muli %arg1, %mul3A : i32
    %add3A = arith.addi %mul3A_0, %arg0 : i32
    %mul3A_1 = arith.constant 640 : i32
    %mul3A_2 = arith.muli %arg1, %mul3A_1 : i32
    %mul3A_3 = arith.constant 640 : i32
    %mul3A_4 = arith.muli %arg1, %mul3A_3 : i32
    "tpu.region"() ({
      %run_scoped3A = tpu.sem_alloc : memref<!tpu.dma_semaphore, #tpu.memory_space<semaphore_mem>>
      %dma_start3A_42 = arith.constant 0 : i32
      %dma_start3A_43 = tpu.memref_slice %arg10[%mul3A_4, %dma_start3A_42] : memref<10240x128xf32, #tpu.memory_space<vmem_shared>> -> memref<640x128xf32, #tpu.memory_space<vmem_shared>>
      %dma_start3A_44 = arith.constant 0 : i32
      %dma_start3A_45 = tpu.memref_slice %arg5[%mul3A_2, %dma_start3A_44] : memref<10240x128xf32, #tpu.memory_space<hbm>> -> memref<640x128xf32, #tpu.memory_space<hbm>>
      tpu.enqueue_dma source(%dma_start3A_45 : memref<640x128xf32, #tpu.memory_space<hbm>>) target(%dma_start3A_43 : memref<640x128xf32, #tpu.memory_space<vmem_shared>>) target_semaphore(%run_scoped3A : memref<!tpu.dma_semaphore, #tpu.memory_space<semaphore_mem>>)
      %dma_wait3A = arith.constant 0 : i32
      %dma_wait3A_46 = tpu.memref_slice %arg10[%mul3A_4, %dma_wait3A] : memref<10240x128xf32, #tpu.memory_space<vmem_shared>> -> memref<640x128xf32, #tpu.memory_space<vmem_shared>>
      %dma_wait3A_47 = arith.constant 0 : i32
      %dma_wait3A_48 = tpu.memref_slice %arg5[%mul3A_2, %dma_wait3A_47] : memref<10240x128xf32, #tpu.memory_space<hbm>> -> memref<640x128xf32, #tpu.memory_space<hbm>>
      tpu.wait_dma2 semaphore(%run_scoped3A : memref<!tpu.dma_semaphore, #tpu.memory_space<semaphore_mem>>) src(%dma_wait3A_48 : memref<640x128xf32, #tpu.memory_space<hbm>>) dst(%dma_wait3A_46 : memref<640x128xf32, #tpu.memory_space<vmem_shared>>)
      tpu.yield
    }) : () -> ()
    %mul3A_5 = arith.constant 40 : i32
    %mul3A_6 = arith.muli %add3A, %mul3A_5 : i32
    "tpu.region"() ({
      %run_scoped3A = tpu.sem_alloc : memref<!tpu.dma_semaphore, #tpu.memory_space<semaphore_mem>>
      %dma_start3A_42 = arith.constant 0 : i32
      %dma_start3A_43 = tpu.memref_slice %arg3[%mul3A_6, %dma_start3A_42] : memref<1280x128xi32, #tpu.memory_space<hbm>> -> memref<40x128xi32, #tpu.memory_space<hbm>>
      %dma_start3A_44 = arith.constant 0 : i32
      %dma_start3A_45 = tpu.memref_slice %arg3[%mul3A_6, %dma_start3A_44] : memref<1280x128xi32, #tpu.memory_space<hbm>> -> memref<40x128xi32, #tpu.memory_space<hbm>>
      tpu.enqueue_dma source(%dma_start3A_45 : memref<40x128xi32, #tpu.memory_space<hbm>>) target(%arg7 : memref<40x128xi32, #tpu.memory_space<vmem>>) target_semaphore(%run_scoped3A : memref<!tpu.dma_semaphore, #tpu.memory_space<semaphore_mem>>)
      %dma_wait3A = arith.constant 0 : i32
      %dma_wait3A_46 = tpu.memref_slice %arg3[%mul3A_6, %dma_wait3A] : memref<1280x128xi32, #tpu.memory_space<hbm>> -> memref<40x128xi32, #tpu.memory_space<hbm>>
      %dma_wait3A_47 = arith.constant 0 : i32
      %dma_wait3A_48 = tpu.memref_slice %arg3[%mul3A_6, %dma_wait3A_47] : memref<1280x128xi32, #tpu.memory_space<hbm>> -> memref<40x128xi32, #tpu.memory_space<hbm>>
      tpu.wait_dma2 semaphore(%run_scoped3A : memref<!tpu.dma_semaphore, #tpu.memory_space<semaphore_mem>>) src(%dma_wait3A_48 : memref<40x128xi32, #tpu.memory_space<hbm>>) dst(%arg7 : memref<40x128xi32, #tpu.memory_space<vmem>>)
      tpu.yield
    }) : () -> ()
    %mul3A_7 = arith.constant 40 : i32
    %mul3A_8 = arith.muli %add3A, %mul3A_7 : i32
    "tpu.region"() ({
      %run_scoped3A = tpu.sem_alloc : memref<!tpu.dma_semaphore, #tpu.memory_space<semaphore_mem>>
      %dma_start3A_42 = arith.constant 0 : i32
      %dma_start3A_43 = tpu.memref_slice %arg4[%mul3A_8, %dma_start3A_42] : memref<1280x128xi32, #tpu.memory_space<hbm>> -> memref<40x128xi32, #tpu.memory_space<hbm>>
      %dma_start3A_44 = arith.constant 0 : i32
      %dma_start3A_45 = tpu.memref_slice %arg4[%mul3A_8, %dma_start3A_44] : memref<1280x128xi32, #tpu.memory_space<hbm>> -> memref<40x128xi32, #tpu.memory_space<hbm>>
      tpu.enqueue_dma source(%dma_start3A_45 : memref<40x128xi32, #tpu.memory_space<hbm>>) target(%arg8 : memref<40x128xi32, #tpu.memory_space<vmem>>) target_semaphore(%run_scoped3A : memref<!tpu.dma_semaphore, #tpu.memory_space<semaphore_mem>>)
      %dma_wait3A = arith.constant 0 : i32
      %dma_wait3A_46 = tpu.memref_slice %arg4[%mul3A_8, %dma_wait3A] : memref<1280x128xi32, #tpu.memory_space<hbm>> -> memref<40x128xi32, #tpu.memory_space<hbm>>
      %dma_wait3A_47 = arith.constant 0 : i32
      %dma_wait3A_48 = tpu.memref_slice %arg4[%mul3A_8, %dma_wait3A_47] : memref<1280x128xi32, #tpu.memory_space<hbm>> -> memref<40x128xi32, #tpu.memory_space<hbm>>
      tpu.wait_dma2 semaphore(%run_scoped3A : memref<!tpu.dma_semaphore, #tpu.memory_space<semaphore_mem>>) src(%dma_wait3A_48 : memref<40x128xi32, #tpu.memory_space<hbm>>) dst(%arg8 : memref<40x128xi32, #tpu.memory_space<vmem>>)
      tpu.yield
    }) : () -> ()
    %barrier3A = arith.constant 0 : index
    tpu.barrier barrier_id(%barrier3A)
    %dma_start3A = arith.constant 0 : i32
    %dma_start3A_9 = arith.constant 0 : i32
    %dma_start3A_10 = arith.constant 0 : i32
    %dma_start3A_11 = arith.constant 0 : i32
    %dma_start3A_12 = tpu.memref_slice %arg9[%dma_start3A_9, %dma_start3A_10, %dma_start3A_11] : memref<2x128x128xf32, #tpu.memory_space<vmem>> -> memref<1x128x128xf32, #tpu.memory_space<vmem>>
    %dma_start3A_13 = tpu.memref_squeeze %dma_start3A_12 : memref<1x128x128xf32, #tpu.memory_space<vmem>> -> memref<128x128xf32, #tpu.memory_space<vmem>>
    %dma_start3A_14 = arith.constant 0 : i32
    %dma_start3A_15 = tpu.memref_slice %arg7[%dma_start3A, %dma_start3A_14] : memref<40x128xi32, #tpu.memory_space<vmem>> -> memref<1x128xi32, #tpu.memory_space<vmem>>
    %dma_start3A_16 = tpu.memref_squeeze %dma_start3A_15 : memref<1x128xi32, #tpu.memory_space<vmem>> -> memref<128xi32, #tpu.memory_space<vmem>>
    %dma_start3A_17 = arith.constant 0 : i32
    %dma_start3A_18 = arith.constant 0 : i32
    %dma_start3A_19 = tpu.memref_slice %arg2[%dma_start3A_17, %dma_start3A_18] : memref<10000x128xf32, #tpu.memory_space<hbm>> -> memref<10000x128xf32, #tpu.memory_space<hbm>>
    tpu.enqueue_indirect_dma source(%dma_start3A_19 : memref<10000x128xf32, #tpu.memory_space<hbm>>) target(%dma_start3A_13 : memref<128x128xf32, #tpu.memory_space<vmem>>) offsets(%dma_start3A_16 : memref<128xi32, #tpu.memory_space<vmem>>) semaphore(%arg11 : memref<!tpu.dma_semaphore, #tpu.memory_space<semaphore_mem>>)
    %dma_start3A_20 = arith.constant 1 : i32
    %dma_start3A_21 = arith.constant 1 : i32
    %dma_start3A_22 = arith.constant 0 : i32
    %dma_start3A_23 = arith.constant 0 : i32
    %dma_start3A_24 = tpu.memref_slice %arg9[%dma_start3A_21, %dma_start3A_22, %dma_start3A_23] : memref<2x128x128xf32, #tpu.memory_space<vmem>> -> memref<1x128x128xf32, #tpu.memory_space<vmem>>
    %dma_start3A_25 = tpu.memref_squeeze %dma_start3A_24 : memref<1x128x128xf32, #tpu.memory_space<vmem>> -> memref<128x128xf32, #tpu.memory_space<vmem>>
    %dma_start3A_26 = arith.constant 0 : i32
    %dma_start3A_27 = tpu.memref_slice %arg7[%dma_start3A_20, %dma_start3A_26] : memref<40x128xi32, #tpu.memory_space<vmem>> -> memref<1x128xi32, #tpu.memory_space<vmem>>
    %dma_start3A_28 = tpu.memref_squeeze %dma_start3A_27 : memref<1x128xi32, #tpu.memory_space<vmem>> -> memref<128xi32, #tpu.memory_space<vmem>>
    %dma_start3A_29 = arith.constant 0 : i32
    %dma_start3A_30 = arith.constant 0 : i32
    %dma_start3A_31 = tpu.memref_slice %arg2[%dma_start3A_29, %dma_start3A_30] : memref<10000x128xf32, #tpu.memory_space<hbm>> -> memref<10000x128xf32, #tpu.memory_space<hbm>>
    tpu.enqueue_indirect_dma source(%dma_start3A_31 : memref<10000x128xf32, #tpu.memory_space<hbm>>) target(%dma_start3A_25 : memref<128x128xf32, #tpu.memory_space<vmem>>) offsets(%dma_start3A_28 : memref<128xi32, #tpu.memory_space<vmem>>) semaphore(%arg12 : memref<!tpu.dma_semaphore, #tpu.memory_space<semaphore_mem>>)
    %scan3A = arith.constant 0 : i32
    %scan3A_32 = arith.constant 0 : i32
    %scan3A_33 = arith.constant 20 : i32
    %scan3A_34 = arith.addi %scan3A_32, %scan3A_33 : i32
    %scan3A_35 = arith.constant 1 : i32
    scf.for %scan3A_42 = %scan3A_32 to %scan3A_34 step %scan3A_35  : i32 {
      %mul3A_43 = arith.constant 2 : i32
      %mul3A_44 = arith.muli %scan3A_42, %mul3A_43 : i32
      %add3A_45 = arith.constant 0 : i32
      %add3A_46 = arith.addi %mul3A_44, %add3A_45 : i32
      %dma_wait3A = arith.constant 0 : i32
      %dma_wait3A_47 = arith.constant 0 : i32
      %dma_wait3A_48 = arith.constant 0 : i32
      %dma_wait3A_49 = tpu.memref_slice %arg9[%dma_wait3A, %dma_wait3A_47, %dma_wait3A_48] : memref<2x128x128xf32, #tpu.memory_space<vmem>> -> memref<1x128x128xf32, #tpu.memory_space<vmem>>
      %dma_wait3A_50 = tpu.memref_squeeze %dma_wait3A_49 : memref<1x128x128xf32, #tpu.memory_space<vmem>> -> memref<128x128xf32, #tpu.memory_space<vmem>>
      %dma_wait3A_51 = arith.constant 0 : i32
      %dma_wait3A_52 = tpu.memref_slice %arg7[%add3A_46, %dma_wait3A_51] : memref<40x128xi32, #tpu.memory_space<vmem>> -> memref<1x128xi32, #tpu.memory_space<vmem>>
      %dma_wait3A_53 = tpu.memref_squeeze %dma_wait3A_52 : memref<1x128xi32, #tpu.memory_space<vmem>> -> memref<128xi32, #tpu.memory_space<vmem>>
      %dma_wait3A_54 = arith.constant 0 : i32
      %dma_wait3A_55 = arith.constant 0 : i32
      %dma_wait3A_56 = tpu.memref_slice %arg2[%dma_wait3A_54, %dma_wait3A_55] : memref<10000x128xf32, #tpu.memory_space<hbm>> -> memref<10000x128xf32, #tpu.memory_space<hbm>>
      tpu.wait_indirect_dma semaphore(%arg11 : memref<!tpu.dma_semaphore, #tpu.memory_space<semaphore_mem>>) src(%dma_wait3A_56 : memref<10000x128xf32, #tpu.memory_space<hbm>>) dst(%dma_wait3A_50 : memref<128x128xf32, #tpu.memory_space<vmem>>)
      %run_scoped3A = arith.constant 0 : i32
      "tpu.region"() ({
        %run_scoped3A_84 = tpu.sem_alloc : memref<!tpu.dma_semaphore, #tpu.memory_space<semaphore_mem>>
        %dma_start3A_85 = arith.constant 0 : i32
        %dma_start3A_86 = arith.constant 0 : i32
        %dma_start3A_87 = tpu.memref_slice %arg9[%run_scoped3A, %dma_start3A_85, %dma_start3A_86] : memref<2x128x128xf32, #tpu.memory_space<vmem>> -> memref<1x128x128xf32, #tpu.memory_space<vmem>>
        %dma_start3A_88 = tpu.memref_squeeze %dma_start3A_87 : memref<1x128x128xf32, #tpu.memory_space<vmem>> -> memref<128x128xf32, #tpu.memory_space<vmem>>
        %dma_start3A_89 = arith.constant 0 : i32
        %dma_start3A_90 = tpu.memref_slice %arg8[%add3A_46, %dma_start3A_89] : memref<40x128xi32, #tpu.memory_space<vmem>> -> memref<1x128xi32, #tpu.memory_space<vmem>>
        %dma_start3A_91 = tpu.memref_squeeze %dma_start3A_90 : memref<1x128xi32, #tpu.memory_space<vmem>> -> memref<128xi32, #tpu.memory_space<vmem>>
        %dma_start3A_92 = arith.constant 0 : i32
        %dma_start3A_93 = arith.constant 0 : i32
        %dma_start3A_94 = tpu.memref_slice %arg10[%dma_start3A_92, %dma_start3A_93] : memref<10240x128xf32, #tpu.memory_space<vmem_shared>> -> memref<10240x128xf32, #tpu.memory_space<vmem_shared>>
        tpu.enqueue_indirect_dma source(%dma_start3A_88 : memref<128x128xf32, #tpu.memory_space<vmem>>) target(%dma_start3A_94 : memref<10240x128xf32, #tpu.memory_space<vmem_shared>>) offsets(%dma_start3A_91 : memref<128xi32, #tpu.memory_space<vmem>>) semaphore(%run_scoped3A_84 : memref<!tpu.dma_semaphore, #tpu.memory_space<semaphore_mem>>) {add = true}
        %dma_wait3A_95 = arith.constant 0 : i32
        %dma_wait3A_96 = arith.constant 0 : i32
        %dma_wait3A_97 = tpu.memref_slice %arg9[%run_scoped3A, %dma_wait3A_95, %dma_wait3A_96] : memref<2x128x128xf32, #tpu.memory_space<vmem>> -> memref<1x128x128xf32, #tpu.memory_space<vmem>>
        %dma_wait3A_98 = tpu.memref_squeeze %dma_wait3A_97 : memref<1x128x128xf32, #tpu.memory_space<vmem>> -> memref<128x128xf32, #tpu.memory_space<vmem>>
        %dma_wait3A_99 = arith.constant 0 : i32
        %dma_wait3A_100 = tpu.memref_slice %arg8[%add3A_46, %dma_wait3A_99] : memref<40x128xi32, #tpu.memory_space<vmem>> -> memref<1x128xi32, #tpu.memory_space<vmem>>
        %dma_wait3A_101 = tpu.memref_squeeze %dma_wait3A_100 : memref<1x128xi32, #tpu.memory_space<vmem>> -> memref<128xi32, #tpu.memory_space<vmem>>
        %dma_wait3A_102 = arith.constant 0 : i32
        %dma_wait3A_103 = arith.constant 0 : i32
        %dma_wait3A_104 = tpu.memref_slice %arg10[%dma_wait3A_102, %dma_wait3A_103] : memref<10240x128xf32, #tpu.memory_space<vmem_shared>> -> memref<10240x128xf32, #tpu.memory_space<vmem_shared>>
        tpu.wait_indirect_dma semaphore(%run_scoped3A_84 : memref<!tpu.dma_semaphore, #tpu.memory_space<semaphore_mem>>) src(%dma_wait3A_98 : memref<128x128xf32, #tpu.memory_space<vmem>>) dst(%dma_wait3A_104 : memref<10240x128xf32, #tpu.memory_space<vmem_shared>>)
        tpu.yield
      }) : () -> ()
      %add3A_57 = arith.constant 2 : i32
      %add3A_58 = arith.addi %add3A_46, %add3A_57 : i32
      %lt3A = arith.constant 40 : i32
      %lt3A_59 = arith.cmpi slt, %add3A_58, %lt3A : i32
      %convert_element_type3A = arith.extui %lt3A_59 : i1 to i32
      %cond3A = arith.constant 0 : i32
      %cond3A_60 = arith.cmpi ne, %convert_element_type3A, %cond3A : i32
      scf.if %cond3A_60 {
        %add3A_84 = arith.constant 2 : i32
        %add3A_85 = arith.addi %add3A_46, %add3A_84 : i32
        %dma_start3A_86 = arith.constant 0 : i32
        %dma_start3A_87 = arith.constant 0 : i32
        %dma_start3A_88 = arith.constant 0 : i32
        %dma_start3A_89 = tpu.memref_slice %arg9[%dma_start3A_86, %dma_start3A_87, %dma_start3A_88] : memref<2x128x128xf32, #tpu.memory_space<vmem>> -> memref<1x128x128xf32, #tpu.memory_space<vmem>>
        %dma_start3A_90 = tpu.memref_squeeze %dma_start3A_89 : memref<1x128x128xf32, #tpu.memory_space<vmem>> -> memref<128x128xf32, #tpu.memory_space<vmem>>
        %dma_start3A_91 = arith.constant 0 : i32
        %dma_start3A_92 = tpu.memref_slice %arg7[%add3A_85, %dma_start3A_91] : memref<40x128xi32, #tpu.memory_space<vmem>> -> memref<1x128xi32, #tpu.memory_space<vmem>>
        %dma_start3A_93 = tpu.memref_squeeze %dma_start3A_92 : memref<1x128xi32, #tpu.memory_space<vmem>> -> memref<128xi32, #tpu.memory_space<vmem>>
        %dma_start3A_94 = arith.constant 0 : i32
        %dma_start3A_95 = arith.constant 0 : i32
        %dma_start3A_96 = tpu.memref_slice %arg2[%dma_start3A_94, %dma_start3A_95] : memref<10000x128xf32, #tpu.memory_space<hbm>> -> memref<10000x128xf32, #tpu.memory_space<hbm>>
        tpu.enqueue_indirect_dma source(%dma_start3A_96 : memref<10000x128xf32, #tpu.memory_space<hbm>>) target(%dma_start3A_90 : memref<128x128xf32, #tpu.memory_space<vmem>>) offsets(%dma_start3A_93 : memref<128xi32, #tpu.memory_space<vmem>>) semaphore(%arg11 : memref<!tpu.dma_semaphore, #tpu.memory_space<semaphore_mem>>)
      } else {
      }
      %mul3A_61 = arith.constant 2 : i32
      %mul3A_62 = arith.muli %scan3A_42, %mul3A_61 : i32
      %add3A_63 = arith.constant 1 : i32
      %add3A_64 = arith.addi %mul3A_62, %add3A_63 : i32
      %dma_wait3A_65 = arith.constant 1 : i32
      %dma_wait3A_66 = arith.constant 0 : i32
      %dma_wait3A_67 = arith.constant 0 : i32
      %dma_wait3A_68 = tpu.memref_slice %arg9[%dma_wait3A_65, %dma_wait3A_66, %dma_wait3A_67] : memref<2x128x128xf32, #tpu.memory_space<vmem>> -> memref<1x128x128xf32, #tpu.memory_space<vmem>>
      %dma_wait3A_69 = tpu.memref_squeeze %dma_wait3A_68 : memref<1x128x128xf32, #tpu.memory_space<vmem>> -> memref<128x128xf32, #tpu.memory_space<vmem>>
      %dma_wait3A_70 = arith.constant 0 : i32
      %dma_wait3A_71 = tpu.memref_slice %arg7[%add3A_64, %dma_wait3A_70] : memref<40x128xi32, #tpu.memory_space<vmem>> -> memref<1x128xi32, #tpu.memory_space<vmem>>
      %dma_wait3A_72 = tpu.memref_squeeze %dma_wait3A_71 : memref<1x128xi32, #tpu.memory_space<vmem>> -> memref<128xi32, #tpu.memory_space<vmem>>
      %dma_wait3A_73 = arith.constant 0 : i32
      %dma_wait3A_74 = arith.constant 0 : i32
      %dma_wait3A_75 = tpu.memref_slice %arg2[%dma_wait3A_73, %dma_wait3A_74] : memref<10000x128xf32, #tpu.memory_space<hbm>> -> memref<10000x128xf32, #tpu.memory_space<hbm>>
      tpu.wait_indirect_dma semaphore(%arg12 : memref<!tpu.dma_semaphore, #tpu.memory_space<semaphore_mem>>) src(%dma_wait3A_75 : memref<10000x128xf32, #tpu.memory_space<hbm>>) dst(%dma_wait3A_69 : memref<128x128xf32, #tpu.memory_space<vmem>>)
      %run_scoped3A_76 = arith.constant 1 : i32
      "tpu.region"() ({
        %run_scoped3A_84 = tpu.sem_alloc : memref<!tpu.dma_semaphore, #tpu.memory_space<semaphore_mem>>
        %dma_start3A_85 = arith.constant 0 : i32
        %dma_start3A_86 = arith.constant 0 : i32
        %dma_start3A_87 = tpu.memref_slice %arg9[%run_scoped3A_76, %dma_start3A_85, %dma_start3A_86] : memref<2x128x128xf32, #tpu.memory_space<vmem>> -> memref<1x128x128xf32, #tpu.memory_space<vmem>>
        %dma_start3A_88 = tpu.memref_squeeze %dma_start3A_87 : memref<1x128x128xf32, #tpu.memory_space<vmem>> -> memref<128x128xf32, #tpu.memory_space<vmem>>
        %dma_start3A_89 = arith.constant 0 : i32
        %dma_start3A_90 = tpu.memref_slice %arg8[%add3A_64, %dma_start3A_89] : memref<40x128xi32, #tpu.memory_space<vmem>> -> memref<1x128xi32, #tpu.memory_space<vmem>>
        %dma_start3A_91 = tpu.memref_squeeze %dma_start3A_90 : memref<1x128xi32, #tpu.memory_space<vmem>> -> memref<128xi32, #tpu.memory_space<vmem>>
        %dma_start3A_92 = arith.constant 0 : i32
        %dma_start3A_93 = arith.constant 0 : i32
        %dma_start3A_94 = tpu.memref_slice %arg10[%dma_start3A_92, %dma_start3A_93] : memref<10240x128xf32, #tpu.memory_space<vmem_shared>> -> memref<10240x128xf32, #tpu.memory_space<vmem_shared>>
        tpu.enqueue_indirect_dma source(%dma_start3A_88 : memref<128x128xf32, #tpu.memory_space<vmem>>) target(%dma_start3A_94 : memref<10240x128xf32, #tpu.memory_space<vmem_shared>>) offsets(%dma_start3A_91 : memref<128xi32, #tpu.memory_space<vmem>>) semaphore(%run_scoped3A_84 : memref<!tpu.dma_semaphore, #tpu.memory_space<semaphore_mem>>) {add = true}
        %dma_wait3A_95 = arith.constant 0 : i32
        %dma_wait3A_96 = arith.constant 0 : i32
        %dma_wait3A_97 = tpu.memref_slice %arg9[%run_scoped3A_76, %dma_wait3A_95, %dma_wait3A_96] : memref<2x128x128xf32, #tpu.memory_space<vmem>> -> memref<1x128x128xf32, #tpu.memory_space<vmem>>
        %dma_wait3A_98 = tpu.memref_squeeze %dma_wait3A_97 : memref<1x128x128xf32, #tpu.memory_space<vmem>> -> memref<128x128xf32, #tpu.memory_space<vmem>>
        %dma_wait3A_99 = arith.constant 0 : i32
        %dma_wait3A_100 = tpu.memref_slice %arg8[%add3A_64, %dma_wait3A_99] : memref<40x128xi32, #tpu.memory_space<vmem>> -> memref<1x128xi32, #tpu.memory_space<vmem>>
        %dma_wait3A_101 = tpu.memref_squeeze %dma_wait3A_100 : memref<1x128xi32, #tpu.memory_space<vmem>> -> memref<128xi32, #tpu.memory_space<vmem>>
        %dma_wait3A_102 = arith.constant 0 : i32
        %dma_wait3A_103 = arith.constant 0 : i32
        %dma_wait3A_104 = tpu.memref_slice %arg10[%dma_wait3A_102, %dma_wait3A_103] : memref<10240x128xf32, #tpu.memory_space<vmem_shared>> -> memref<10240x128xf32, #tpu.memory_space<vmem_shared>>
        tpu.wait_indirect_dma semaphore(%run_scoped3A_84 : memref<!tpu.dma_semaphore, #tpu.memory_space<semaphore_mem>>) src(%dma_wait3A_98 : memref<128x128xf32, #tpu.memory_space<vmem>>) dst(%dma_wait3A_104 : memref<10240x128xf32, #tpu.memory_space<vmem_shared>>)
        tpu.yield
      }) : () -> ()
      %add3A_77 = arith.constant 2 : i32
      %add3A_78 = arith.addi %add3A_64, %add3A_77 : i32
      %lt3A_79 = arith.constant 40 : i32
      %lt3A_80 = arith.cmpi slt, %add3A_78, %lt3A_79 : i32
      %convert_element_type3A_81 = arith.extui %lt3A_80 : i1 to i32
      %cond3A_82 = arith.constant 0 : i32
      %cond3A_83 = arith.cmpi ne, %convert_element_type3A_81, %cond3A_82 : i32
      scf.if %cond3A_83 {
        %add3A_84 = arith.constant 2 : i32
        %add3A_85 = arith.addi %add3A_64, %add3A_84 : i32
        %dma_start3A_86 = arith.constant 1 : i32
        %dma_start3A_87 = arith.constant 0 : i32
        %dma_start3A_88 = arith.constant 0 : i32
        %dma_start3A_89 = tpu.memref_slice %arg9[%dma_start3A_86, %dma_start3A_87, %dma_start3A_88] : memref<2x128x128xf32, #tpu.memory_space<vmem>> -> memref<1x128x128xf32, #tpu.memory_space<vmem>>
        %dma_start3A_90 = tpu.memref_squeeze %dma_start3A_89 : memref<1x128x128xf32, #tpu.memory_space<vmem>> -> memref<128x128xf32, #tpu.memory_space<vmem>>
        %dma_start3A_91 = arith.constant 0 : i32
        %dma_start3A_92 = tpu.memref_slice %arg7[%add3A_85, %dma_start3A_91] : memref<40x128xi32, #tpu.memory_space<vmem>> -> memref<1x128xi32, #tpu.memory_space<vmem>>
        %dma_start3A_93 = tpu.memref_squeeze %dma_start3A_92 : memref<1x128xi32, #tpu.memory_space<vmem>> -> memref<128xi32, #tpu.memory_space<vmem>>
        %dma_start3A_94 = arith.constant 0 : i32
        %dma_start3A_95 = arith.constant 0 : i32
        %dma_start3A_96 = tpu.memref_slice %arg2[%dma_start3A_94, %dma_start3A_95] : memref<10000x128xf32, #tpu.memory_space<hbm>> -> memref<10000x128xf32, #tpu.memory_space<hbm>>
        tpu.enqueue_indirect_dma source(%dma_start3A_96 : memref<10000x128xf32, #tpu.memory_space<hbm>>) target(%dma_start3A_90 : memref<128x128xf32, #tpu.memory_space<vmem>>) offsets(%dma_start3A_93 : memref<128xi32, #tpu.memory_space<vmem>>) semaphore(%arg12 : memref<!tpu.dma_semaphore, #tpu.memory_space<semaphore_mem>>)
      } else {
      }
    }
    %scan3A_36 = arith.constant 20 : i32
    %barrier3A_37 = arith.constant 0 : index
    tpu.barrier barrier_id(%barrier3A_37)
    %mul3A_38 = arith.constant 640 : i32
    %mul3A_39 = arith.muli %arg1, %mul3A_38 : i32
    %mul3A_40 = arith.constant 640 : i32
    %mul3A_41 = arith.muli %arg1, %mul3A_40 : i32
    "tpu.region"() ({
      %run_scoped3A = tpu.sem_alloc : memref<!tpu.dma_semaphore, #tpu.memory_space<semaphore_mem>>
      %dma_start3A_42 = arith.constant 0 : i32
      %dma_start3A_43 = tpu.memref_slice %arg6[%arg0, %mul3A_41, %dma_start3A_42] : memref<2x10240x128xf32, #tpu.memory_space<hbm>> -> memref<1x640x128xf32, #tpu.memory_space<hbm>>
      %dma_start3A_44 = tpu.memref_squeeze %dma_start3A_43 : memref<1x640x128xf32, #tpu.memory_space<hbm>> -> memref<640x128xf32, #tpu.memory_space<hbm>>
      %dma_start3A_45 = arith.constant 0 : i32
      %dma_start3A_46 = tpu.memref_slice %arg10[%mul3A_39, %dma_start3A_45] : memref<10240x128xf32, #tpu.memory_space<vmem_shared>> -> memref<640x128xf32, #tpu.memory_space<vmem_shared>>
      tpu.enqueue_dma source(%dma_start3A_46 : memref<640x128xf32, #tpu.memory_space<vmem_shared>>) target(%dma_start3A_44 : memref<640x128xf32, #tpu.memory_space<hbm>>) target_semaphore(%run_scoped3A : memref<!tpu.dma_semaphore, #tpu.memory_space<semaphore_mem>>)
      %dma_wait3A = arith.constant 0 : i32
      %dma_wait3A_47 = tpu.memref_slice %arg6[%arg0, %mul3A_41, %dma_wait3A] : memref<2x10240x128xf32, #tpu.memory_space<hbm>> -> memref<1x640x128xf32, #tpu.memory_space<hbm>>
      %dma_wait3A_48 = tpu.memref_squeeze %dma_wait3A_47 : memref<1x640x128xf32, #tpu.memory_space<hbm>> -> memref<640x128xf32, #tpu.memory_space<hbm>>
      %dma_wait3A_49 = arith.constant 0 : i32
      %dma_wait3A_50 = tpu.memref_slice %arg10[%mul3A_39, %dma_wait3A_49] : memref<10240x128xf32, #tpu.memory_space<vmem_shared>> -> memref<640x128xf32, #tpu.memory_space<vmem_shared>>
      tpu.wait_dma2 semaphore(%run_scoped3A : memref<!tpu.dma_semaphore, #tpu.memory_space<semaphore_mem>>) src(%dma_wait3A_50 : memref<640x128xf32, #tpu.memory_space<vmem_shared>>) dst(%dma_wait3A_48 : memref<640x128xf32, #tpu.memory_space<hbm>>)
      tpu.yield
    }) : () -> ()
    return
  }
}

#map = affine_map<(d0, d1) -> (0, 0)>
#map1 = affine_map<(d0, d1) -> (0, 0, 0)>
module attributes {stable_mosaic.version = 14 : i64} {
  func.func @_agg_kernel(%arg0: i32, %arg1: i32, %arg2: memref<10000x128xf32, #tpu.memory_space<hbm>>, %arg3: memref<1280x128xi32, #tpu.memory_space<hbm>>, %arg4: memref<1280x128xi32, #tpu.memory_space<hbm>>, %arg5: memref<10240x128xf32, #tpu.memory_space<hbm>>, %arg6: memref<2x10240x128xf32, #tpu.memory_space<hbm>>, %arg7: memref<40x128xi32, #tpu.memory_space<vmem>>, %arg8: memref<40x128xi32, #tpu.memory_space<vmem>>, %arg9: memref<2x128x128xf32, #tpu.memory_space<vmem>>, %arg10: memref<10240x128xf32, #tpu.memory_space<vmem_shared>>, %arg11: memref<!tpu.dma_semaphore, #tpu.memory_space<semaphore_mem>>, %arg12: memref<!tpu.dma_semaphore, #tpu.memory_space<semaphore_mem>>) attributes {dimension_semantics = [#tpu.dimension_semantics<core_parallel>, #tpu.dimension_semantics<subcore_parallel>], iteration_bounds = array<i64: 2, 16>, scalar_prefetch = 0 : i64, scratch_operands = 6 : i64, tpu.core_type = #tpu.core_type<sc_vector_subcore>, window_params = [{transform_indices = #map}, {transform_indices = #map}, {transform_indices = #map}, {transform_indices = #map}, {transform_indices = #map1}]} {
    %mul3A = arith.constant 2 : i32
    %mul3A_0 = arith.muli %arg1, %mul3A : i32
    %add3A = arith.addi %mul3A_0, %arg0 : i32
    %mul3A_1 = arith.constant 640 : i32
    %mul3A_2 = arith.muli %arg1, %mul3A_1 : i32
    %mul3A_3 = arith.constant 640 : i32
    %mul3A_4 = arith.muli %arg1, %mul3A_3 : i32
    "tpu.region"() ({
      %run_scoped3A = tpu.sem_alloc : memref<!tpu.dma_semaphore, #tpu.memory_space<semaphore_mem>>
      %dma_start3A_42 = arith.constant 0 : i32
      %dma_start3A_43 = tpu.memref_slice %arg10[%mul3A_4, %dma_start3A_42] : memref<10240x128xf32, #tpu.memory_space<vmem_shared>> -> memref<640x128xf32, #tpu.memory_space<vmem_shared>>
      %dma_start3A_44 = arith.constant 0 : i32
      %dma_start3A_45 = tpu.memref_slice %arg5[%mul3A_2, %dma_start3A_44] : memref<10240x128xf32, #tpu.memory_space<hbm>> -> memref<640x128xf32, #tpu.memory_space<hbm>>
      tpu.enqueue_dma source(%dma_start3A_45 : memref<640x128xf32, #tpu.memory_space<hbm>>) target(%dma_start3A_43 : memref<640x128xf32, #tpu.memory_space<vmem_shared>>) target_semaphore(%run_scoped3A : memref<!tpu.dma_semaphore, #tpu.memory_space<semaphore_mem>>)
      %dma_wait3A = arith.constant 0 : i32
      %dma_wait3A_46 = tpu.memref_slice %arg10[%mul3A_4, %dma_wait3A] : memref<10240x128xf32, #tpu.memory_space<vmem_shared>> -> memref<640x128xf32, #tpu.memory_space<vmem_shared>>
      %dma_wait3A_47 = arith.constant 0 : i32
      %dma_wait3A_48 = tpu.memref_slice %arg5[%mul3A_2, %dma_wait3A_47] : memref<10240x128xf32, #tpu.memory_space<hbm>> -> memref<640x128xf32, #tpu.memory_space<hbm>>
      tpu.wait_dma2 semaphore(%run_scoped3A : memref<!tpu.dma_semaphore, #tpu.memory_space<semaphore_mem>>) src(%dma_wait3A_48 : memref<640x128xf32, #tpu.memory_space<hbm>>) dst(%dma_wait3A_46 : memref<640x128xf32, #tpu.memory_space<vmem_shared>>)
      tpu.yield
    }) : () -> ()
    %mul3A_5 = arith.constant 40 : i32
    %mul3A_6 = arith.muli %add3A, %mul3A_5 : i32
    "tpu.region"() ({
      %run_scoped3A = tpu.sem_alloc : memref<!tpu.dma_semaphore, #tpu.memory_space<semaphore_mem>>
      %dma_start3A_42 = arith.constant 0 : i32
      %dma_start3A_43 = tpu.memref_slice %arg3[%mul3A_6, %dma_start3A_42] : memref<1280x128xi32, #tpu.memory_space<hbm>> -> memref<40x128xi32, #tpu.memory_space<hbm>>
      %dma_start3A_44 = arith.constant 0 : i32
      %dma_start3A_45 = tpu.memref_slice %arg3[%mul3A_6, %dma_start3A_44] : memref<1280x128xi32, #tpu.memory_space<hbm>> -> memref<40x128xi32, #tpu.memory_space<hbm>>
      tpu.enqueue_dma source(%dma_start3A_45 : memref<40x128xi32, #tpu.memory_space<hbm>>) target(%arg7 : memref<40x128xi32, #tpu.memory_space<vmem>>) target_semaphore(%run_scoped3A : memref<!tpu.dma_semaphore, #tpu.memory_space<semaphore_mem>>)
      %dma_wait3A = arith.constant 0 : i32
      %dma_wait3A_46 = tpu.memref_slice %arg3[%mul3A_6, %dma_wait3A] : memref<1280x128xi32, #tpu.memory_space<hbm>> -> memref<40x128xi32, #tpu.memory_space<hbm>>
      %dma_wait3A_47 = arith.constant 0 : i32
      %dma_wait3A_48 = tpu.memref_slice %arg3[%mul3A_6, %dma_wait3A_47] : memref<1280x128xi32, #tpu.memory_space<hbm>> -> memref<40x128xi32, #tpu.memory_space<hbm>>
      tpu.wait_dma2 semaphore(%run_scoped3A : memref<!tpu.dma_semaphore, #tpu.memory_space<semaphore_mem>>) src(%dma_wait3A_48 : memref<40x128xi32, #tpu.memory_space<hbm>>) dst(%arg7 : memref<40x128xi32, #tpu.memory_space<vmem>>)
      tpu.yield
    }) : () -> ()
    %mul3A_7 = arith.constant 40 : i32
    %mul3A_8 = arith.muli %add3A, %mul3A_7 : i32
    "tpu.region"() ({
      %run_scoped3A = tpu.sem_alloc : memref<!tpu.dma_semaphore, #tpu.memory_space<semaphore_mem>>
      %dma_start3A_42 = arith.constant 0 : i32
      %dma_start3A_43 = tpu.memref_slice %arg4[%mul3A_8, %dma_start3A_42] : memref<1280x128xi32, #tpu.memory_space<hbm>> -> memref<40x128xi32, #tpu.memory_space<hbm>>
      %dma_start3A_44 = arith.constant 0 : i32
      %dma_start3A_45 = tpu.memref_slice %arg4[%mul3A_8, %dma_start3A_44] : memref<1280x128xi32, #tpu.memory_space<hbm>> -> memref<40x128xi32, #tpu.memory_space<hbm>>
      tpu.enqueue_dma source(%dma_start3A_45 : memref<40x128xi32, #tpu.memory_space<hbm>>) target(%arg8 : memref<40x128xi32, #tpu.memory_space<vmem>>) target_semaphore(%run_scoped3A : memref<!tpu.dma_semaphore, #tpu.memory_space<semaphore_mem>>)
      %dma_wait3A = arith.constant 0 : i32
      %dma_wait3A_46 = tpu.memref_slice %arg4[%mul3A_8, %dma_wait3A] : memref<1280x128xi32, #tpu.memory_space<hbm>> -> memref<40x128xi32, #tpu.memory_space<hbm>>
      %dma_wait3A_47 = arith.constant 0 : i32
      %dma_wait3A_48 = tpu.memref_slice %arg4[%mul3A_8, %dma_wait3A_47] : memref<1280x128xi32, #tpu.memory_space<hbm>> -> memref<40x128xi32, #tpu.memory_space<hbm>>
      tpu.wait_dma2 semaphore(%run_scoped3A : memref<!tpu.dma_semaphore, #tpu.memory_space<semaphore_mem>>) src(%dma_wait3A_48 : memref<40x128xi32, #tpu.memory_space<hbm>>) dst(%arg8 : memref<40x128xi32, #tpu.memory_space<vmem>>)
      tpu.yield
    }) : () -> ()
    %barrier3A = arith.constant 0 : index
    tpu.barrier barrier_id(%barrier3A)
    %dma_start3A = arith.constant 0 : i32
    %dma_start3A_9 = arith.constant 0 : i32
    %dma_start3A_10 = arith.constant 0 : i32
    %dma_start3A_11 = arith.constant 0 : i32
    %dma_start3A_12 = tpu.memref_slice %arg9[%dma_start3A_9, %dma_start3A_10, %dma_start3A_11] : memref<2x128x128xf32, #tpu.memory_space<vmem>> -> memref<1x128x128xf32, #tpu.memory_space<vmem>>
    %dma_start3A_13 = tpu.memref_squeeze %dma_start3A_12 : memref<1x128x128xf32, #tpu.memory_space<vmem>> -> memref<128x128xf32, #tpu.memory_space<vmem>>
    %dma_start3A_14 = arith.constant 0 : i32
    %dma_start3A_15 = tpu.memref_slice %arg7[%dma_start3A, %dma_start3A_14] : memref<40x128xi32, #tpu.memory_space<vmem>> -> memref<1x128xi32, #tpu.memory_space<vmem>>
    %dma_start3A_16 = tpu.memref_squeeze %dma_start3A_15 : memref<1x128xi32, #tpu.memory_space<vmem>> -> memref<128xi32, #tpu.memory_space<vmem>>
    %dma_start3A_17 = arith.constant 0 : i32
    %dma_start3A_18 = arith.constant 0 : i32
    %dma_start3A_19 = tpu.memref_slice %arg2[%dma_start3A_17, %dma_start3A_18] : memref<10000x128xf32, #tpu.memory_space<hbm>> -> memref<10000x128xf32, #tpu.memory_space<hbm>>
    tpu.enqueue_indirect_dma source(%dma_start3A_19 : memref<10000x128xf32, #tpu.memory_space<hbm>>) target(%dma_start3A_13 : memref<128x128xf32, #tpu.memory_space<vmem>>) offsets(%dma_start3A_16 : memref<128xi32, #tpu.memory_space<vmem>>) semaphore(%arg11 : memref<!tpu.dma_semaphore, #tpu.memory_space<semaphore_mem>>)
    %dma_start3A_20 = arith.constant 1 : i32
    %dma_start3A_21 = arith.constant 1 : i32
    %dma_start3A_22 = arith.constant 0 : i32
    %dma_start3A_23 = arith.constant 0 : i32
    %dma_start3A_24 = tpu.memref_slice %arg9[%dma_start3A_21, %dma_start3A_22, %dma_start3A_23] : memref<2x128x128xf32, #tpu.memory_space<vmem>> -> memref<1x128x128xf32, #tpu.memory_space<vmem>>
    %dma_start3A_25 = tpu.memref_squeeze %dma_start3A_24 : memref<1x128x128xf32, #tpu.memory_space<vmem>> -> memref<128x128xf32, #tpu.memory_space<vmem>>
    %dma_start3A_26 = arith.constant 0 : i32
    %dma_start3A_27 = tpu.memref_slice %arg7[%dma_start3A_20, %dma_start3A_26] : memref<40x128xi32, #tpu.memory_space<vmem>> -> memref<1x128xi32, #tpu.memory_space<vmem>>
    %dma_start3A_28 = tpu.memref_squeeze %dma_start3A_27 : memref<1x128xi32, #tpu.memory_space<vmem>> -> memref<128xi32, #tpu.memory_space<vmem>>
    %dma_start3A_29 = arith.constant 0 : i32
    %dma_start3A_30 = arith.constant 0 : i32
    %dma_start3A_31 = tpu.memref_slice %arg2[%dma_start3A_29, %dma_start3A_30] : memref<10000x128xf32, #tpu.memory_space<hbm>> -> memref<10000x128xf32, #tpu.memory_space<hbm>>
    tpu.enqueue_indirect_dma source(%dma_start3A_31 : memref<10000x128xf32, #tpu.memory_space<hbm>>) target(%dma_start3A_25 : memref<128x128xf32, #tpu.memory_space<vmem>>) offsets(%dma_start3A_28 : memref<128xi32, #tpu.memory_space<vmem>>) semaphore(%arg12 : memref<!tpu.dma_semaphore, #tpu.memory_space<semaphore_mem>>)
    %scan3A = arith.constant 0 : i32
    %scan3A_32 = arith.constant 0 : i32
    %scan3A_33 = arith.constant 20 : i32
    %scan3A_34 = arith.addi %scan3A_32, %scan3A_33 : i32
    %scan3A_35 = arith.constant 1 : i32
    scf.for %scan3A_42 = %scan3A_32 to %scan3A_34 step %scan3A_35  : i32 {
      %mul3A_43 = arith.constant 2 : i32
      %mul3A_44 = arith.muli %scan3A_42, %mul3A_43 : i32
      %add3A_45 = arith.constant 0 : i32
      %add3A_46 = arith.addi %mul3A_44, %add3A_45 : i32
      %dma_wait3A = arith.constant 0 : i32
      %dma_wait3A_47 = arith.constant 0 : i32
      %dma_wait3A_48 = arith.constant 0 : i32
      %dma_wait3A_49 = tpu.memref_slice %arg9[%dma_wait3A, %dma_wait3A_47, %dma_wait3A_48] : memref<2x128x128xf32, #tpu.memory_space<vmem>> -> memref<1x128x128xf32, #tpu.memory_space<vmem>>
      %dma_wait3A_50 = tpu.memref_squeeze %dma_wait3A_49 : memref<1x128x128xf32, #tpu.memory_space<vmem>> -> memref<128x128xf32, #tpu.memory_space<vmem>>
      %dma_wait3A_51 = arith.constant 0 : i32
      %dma_wait3A_52 = tpu.memref_slice %arg7[%add3A_46, %dma_wait3A_51] : memref<40x128xi32, #tpu.memory_space<vmem>> -> memref<1x128xi32, #tpu.memory_space<vmem>>
      %dma_wait3A_53 = tpu.memref_squeeze %dma_wait3A_52 : memref<1x128xi32, #tpu.memory_space<vmem>> -> memref<128xi32, #tpu.memory_space<vmem>>
      %dma_wait3A_54 = arith.constant 0 : i32
      %dma_wait3A_55 = arith.constant 0 : i32
      %dma_wait3A_56 = tpu.memref_slice %arg2[%dma_wait3A_54, %dma_wait3A_55] : memref<10000x128xf32, #tpu.memory_space<hbm>> -> memref<10000x128xf32, #tpu.memory_space<hbm>>
      tpu.wait_indirect_dma semaphore(%arg11 : memref<!tpu.dma_semaphore, #tpu.memory_space<semaphore_mem>>) src(%dma_wait3A_56 : memref<10000x128xf32, #tpu.memory_space<hbm>>) dst(%dma_wait3A_50 : memref<128x128xf32, #tpu.memory_space<vmem>>)
      %run_scoped3A = arith.constant 0 : i32
      "tpu.region"() ({
        %run_scoped3A_84 = tpu.sem_alloc : memref<!tpu.dma_semaphore, #tpu.memory_space<semaphore_mem>>
        %dma_start3A_85 = arith.constant 0 : i32
        %dma_start3A_86 = arith.constant 0 : i32
        %dma_start3A_87 = tpu.memref_slice %arg9[%run_scoped3A, %dma_start3A_85, %dma_start3A_86] : memref<2x128x128xf32, #tpu.memory_space<vmem>> -> memref<1x128x128xf32, #tpu.memory_space<vmem>>
        %dma_start3A_88 = tpu.memref_squeeze %dma_start3A_87 : memref<1x128x128xf32, #tpu.memory_space<vmem>> -> memref<128x128xf32, #tpu.memory_space<vmem>>
        %dma_start3A_89 = arith.constant 0 : i32
        %dma_start3A_90 = tpu.memref_slice %arg8[%add3A_46, %dma_start3A_89] : memref<40x128xi32, #tpu.memory_space<vmem>> -> memref<1x128xi32, #tpu.memory_space<vmem>>
        %dma_start3A_91 = tpu.memref_squeeze %dma_start3A_90 : memref<1x128xi32, #tpu.memory_space<vmem>> -> memref<128xi32, #tpu.memory_space<vmem>>
        %dma_start3A_92 = arith.constant 0 : i32
        %dma_start3A_93 = arith.constant 0 : i32
        %dma_start3A_94 = tpu.memref_slice %arg10[%dma_start3A_92, %dma_start3A_93] : memref<10240x128xf32, #tpu.memory_space<vmem_shared>> -> memref<10240x128xf32, #tpu.memory_space<vmem_shared>>
        tpu.enqueue_indirect_dma source(%dma_start3A_88 : memref<128x128xf32, #tpu.memory_space<vmem>>) target(%dma_start3A_94 : memref<10240x128xf32, #tpu.memory_space<vmem_shared>>) offsets(%dma_start3A_91 : memref<128xi32, #tpu.memory_space<vmem>>) semaphore(%run_scoped3A_84 : memref<!tpu.dma_semaphore, #tpu.memory_space<semaphore_mem>>) {add = true}
        %dma_wait3A_95 = arith.constant 0 : i32
        %dma_wait3A_96 = arith.constant 0 : i32
        %dma_wait3A_97 = tpu.memref_slice %arg9[%run_scoped3A, %dma_wait3A_95, %dma_wait3A_96] : memref<2x128x128xf32, #tpu.memory_space<vmem>> -> memref<1x128x128xf32, #tpu.memory_space<vmem>>
        %dma_wait3A_98 = tpu.memref_squeeze %dma_wait3A_97 : memref<1x128x128xf32, #tpu.memory_space<vmem>> -> memref<128x128xf32, #tpu.memory_space<vmem>>
        %dma_wait3A_99 = arith.constant 0 : i32
        %dma_wait3A_100 = tpu.memref_slice %arg8[%add3A_46, %dma_wait3A_99] : memref<40x128xi32, #tpu.memory_space<vmem>> -> memref<1x128xi32, #tpu.memory_space<vmem>>
        %dma_wait3A_101 = tpu.memref_squeeze %dma_wait3A_100 : memref<1x128xi32, #tpu.memory_space<vmem>> -> memref<128xi32, #tpu.memory_space<vmem>>
        %dma_wait3A_102 = arith.constant 0 : i32
        %dma_wait3A_103 = arith.constant 0 : i32
        %dma_wait3A_104 = tpu.memref_slice %arg10[%dma_wait3A_102, %dma_wait3A_103] : memref<10240x128xf32, #tpu.memory_space<vmem_shared>> -> memref<10240x128xf32, #tpu.memory_space<vmem_shared>>
        tpu.wait_indirect_dma semaphore(%run_scoped3A_84 : memref<!tpu.dma_semaphore, #tpu.memory_space<semaphore_mem>>) src(%dma_wait3A_98 : memref<128x128xf32, #tpu.memory_space<vmem>>) dst(%dma_wait3A_104 : memref<10240x128xf32, #tpu.memory_space<vmem_shared>>)
        tpu.yield
      }) : () -> ()
      %add3A_57 = arith.constant 2 : i32
      %add3A_58 = arith.addi %add3A_46, %add3A_57 : i32
      %lt3A = arith.constant 40 : i32
      %lt3A_59 = arith.cmpi slt, %add3A_58, %lt3A : i32
      %convert_element_type3A = arith.extui %lt3A_59 : i1 to i32
      %cond3A = arith.constant 0 : i32
      %cond3A_60 = arith.cmpi ne, %convert_element_type3A, %cond3A : i32
      scf.if %cond3A_60 {
        %add3A_84 = arith.constant 2 : i32
        %add3A_85 = arith.addi %add3A_46, %add3A_84 : i32
        %dma_start3A_86 = arith.constant 0 : i32
        %dma_start3A_87 = arith.constant 0 : i32
        %dma_start3A_88 = arith.constant 0 : i32
        %dma_start3A_89 = tpu.memref_slice %arg9[%dma_start3A_86, %dma_start3A_87, %dma_start3A_88] : memref<2x128x128xf32, #tpu.memory_space<vmem>> -> memref<1x128x128xf32, #tpu.memory_space<vmem>>
        %dma_start3A_90 = tpu.memref_squeeze %dma_start3A_89 : memref<1x128x128xf32, #tpu.memory_space<vmem>> -> memref<128x128xf32, #tpu.memory_space<vmem>>
        %dma_start3A_91 = arith.constant 0 : i32
        %dma_start3A_92 = tpu.memref_slice %arg7[%add3A_85, %dma_start3A_91] : memref<40x128xi32, #tpu.memory_space<vmem>> -> memref<1x128xi32, #tpu.memory_space<vmem>>
        %dma_start3A_93 = tpu.memref_squeeze %dma_start3A_92 : memref<1x128xi32, #tpu.memory_space<vmem>> -> memref<128xi32, #tpu.memory_space<vmem>>
        %dma_start3A_94 = arith.constant 0 : i32
        %dma_start3A_95 = arith.constant 0 : i32
        %dma_start3A_96 = tpu.memref_slice %arg2[%dma_start3A_94, %dma_start3A_95] : memref<10000x128xf32, #tpu.memory_space<hbm>> -> memref<10000x128xf32, #tpu.memory_space<hbm>>
        tpu.enqueue_indirect_dma source(%dma_start3A_96 : memref<10000x128xf32, #tpu.memory_space<hbm>>) target(%dma_start3A_90 : memref<128x128xf32, #tpu.memory_space<vmem>>) offsets(%dma_start3A_93 : memref<128xi32, #tpu.memory_space<vmem>>) semaphore(%arg11 : memref<!tpu.dma_semaphore, #tpu.memory_space<semaphore_mem>>)
      } else {
      }
      %mul3A_61 = arith.constant 2 : i32
      %mul3A_62 = arith.muli %scan3A_42, %mul3A_61 : i32
      %add3A_63 = arith.constant 1 : i32
      %add3A_64 = arith.addi %mul3A_62, %add3A_63 : i32
      %dma_wait3A_65 = arith.constant 1 : i32
      %dma_wait3A_66 = arith.constant 0 : i32
      %dma_wait3A_67 = arith.constant 0 : i32
      %dma_wait3A_68 = tpu.memref_slice %arg9[%dma_wait3A_65, %dma_wait3A_66, %dma_wait3A_67] : memref<2x128x128xf32, #tpu.memory_space<vmem>> -> memref<1x128x128xf32, #tpu.memory_space<vmem>>
      %dma_wait3A_69 = tpu.memref_squeeze %dma_wait3A_68 : memref<1x128x128xf32, #tpu.memory_space<vmem>> -> memref<128x128xf32, #tpu.memory_space<vmem>>
      %dma_wait3A_70 = arith.constant 0 : i32
      %dma_wait3A_71 = tpu.memref_slice %arg7[%add3A_64, %dma_wait3A_70] : memref<40x128xi32, #tpu.memory_space<vmem>> -> memref<1x128xi32, #tpu.memory_space<vmem>>
      %dma_wait3A_72 = tpu.memref_squeeze %dma_wait3A_71 : memref<1x128xi32, #tpu.memory_space<vmem>> -> memref<128xi32, #tpu.memory_space<vmem>>
      %dma_wait3A_73 = arith.constant 0 : i32
      %dma_wait3A_74 = arith.constant 0 : i32
      %dma_wait3A_75 = tpu.memref_slice %arg2[%dma_wait3A_73, %dma_wait3A_74] : memref<10000x128xf32, #tpu.memory_space<hbm>> -> memref<10000x128xf32, #tpu.memory_space<hbm>>
      tpu.wait_indirect_dma semaphore(%arg12 : memref<!tpu.dma_semaphore, #tpu.memory_space<semaphore_mem>>) src(%dma_wait3A_75 : memref<10000x128xf32, #tpu.memory_space<hbm>>) dst(%dma_wait3A_69 : memref<128x128xf32, #tpu.memory_space<vmem>>)
      %run_scoped3A_76 = arith.constant 1 : i32
      "tpu.region"() ({
        %run_scoped3A_84 = tpu.sem_alloc : memref<!tpu.dma_semaphore, #tpu.memory_space<semaphore_mem>>
        %dma_start3A_85 = arith.constant 0 : i32
        %dma_start3A_86 = arith.constant 0 : i32
        %dma_start3A_87 = tpu.memref_slice %arg9[%run_scoped3A_76, %dma_start3A_85, %dma_start3A_86] : memref<2x128x128xf32, #tpu.memory_space<vmem>> -> memref<1x128x128xf32, #tpu.memory_space<vmem>>
        %dma_start3A_88 = tpu.memref_squeeze %dma_start3A_87 : memref<1x128x128xf32, #tpu.memory_space<vmem>> -> memref<128x128xf32, #tpu.memory_space<vmem>>
        %dma_start3A_89 = arith.constant 0 : i32
        %dma_start3A_90 = tpu.memref_slice %arg8[%add3A_64, %dma_start3A_89] : memref<40x128xi32, #tpu.memory_space<vmem>> -> memref<1x128xi32, #tpu.memory_space<vmem>>
        %dma_start3A_91 = tpu.memref_squeeze %dma_start3A_90 : memref<1x128xi32, #tpu.memory_space<vmem>> -> memref<128xi32, #tpu.memory_space<vmem>>
        %dma_start3A_92 = arith.constant 0 : i32
        %dma_start3A_93 = arith.constant 0 : i32
        %dma_start3A_94 = tpu.memref_slice %arg10[%dma_start3A_92, %dma_start3A_93] : memref<10240x128xf32, #tpu.memory_space<vmem_shared>> -> memref<10240x128xf32, #tpu.memory_space<vmem_shared>>
        tpu.enqueue_indirect_dma source(%dma_start3A_88 : memref<128x128xf32, #tpu.memory_space<vmem>>) target(%dma_start3A_94 : memref<10240x128xf32, #tpu.memory_space<vmem_shared>>) offsets(%dma_start3A_91 : memref<128xi32, #tpu.memory_space<vmem>>) semaphore(%run_scoped3A_84 : memref<!tpu.dma_semaphore, #tpu.memory_space<semaphore_mem>>) {add = true}
        %dma_wait3A_95 = arith.constant 0 : i32
        %dma_wait3A_96 = arith.constant 0 : i32
        %dma_wait3A_97 = tpu.memref_slice %arg9[%run_scoped3A_76, %dma_wait3A_95, %dma_wait3A_96] : memref<2x128x128xf32, #tpu.memory_space<vmem>> -> memref<1x128x128xf32, #tpu.memory_space<vmem>>
        %dma_wait3A_98 = tpu.memref_squeeze %dma_wait3A_97 : memref<1x128x128xf32, #tpu.memory_space<vmem>> -> memref<128x128xf32, #tpu.memory_space<vmem>>
        %dma_wait3A_99 = arith.constant 0 : i32
        %dma_wait3A_100 = tpu.memref_slice %arg8[%add3A_64, %dma_wait3A_99] : memref<40x128xi32, #tpu.memory_space<vmem>> -> memref<1x128xi32, #tpu.memory_space<vmem>>
        %dma_wait3A_101 = tpu.memref_squeeze %dma_wait3A_100 : memref<1x128xi32, #tpu.memory_space<vmem>> -> memref<128xi32, #tpu.memory_space<vmem>>
        %dma_wait3A_102 = arith.constant 0 : i32
        %dma_wait3A_103 = arith.constant 0 : i32
        %dma_wait3A_104 = tpu.memref_slice %arg10[%dma_wait3A_102, %dma_wait3A_103] : memref<10240x128xf32, #tpu.memory_space<vmem_shared>> -> memref<10240x128xf32, #tpu.memory_space<vmem_shared>>
        tpu.wait_indirect_dma semaphore(%run_scoped3A_84 : memref<!tpu.dma_semaphore, #tpu.memory_space<semaphore_mem>>) src(%dma_wait3A_98 : memref<128x128xf32, #tpu.memory_space<vmem>>) dst(%dma_wait3A_104 : memref<10240x128xf32, #tpu.memory_space<vmem_shared>>)
        tpu.yield
      }) : () -> ()
      %add3A_77 = arith.constant 2 : i32
      %add3A_78 = arith.addi %add3A_64, %add3A_77 : i32
      %lt3A_79 = arith.constant 40 : i32
      %lt3A_80 = arith.cmpi slt, %add3A_78, %lt3A_79 : i32
      %convert_element_type3A_81 = arith.extui %lt3A_80 : i1 to i32
      %cond3A_82 = arith.constant 0 : i32
      %cond3A_83 = arith.cmpi ne, %convert_element_type3A_81, %cond3A_82 : i32
      scf.if %cond3A_83 {
        %add3A_84 = arith.constant 2 : i32
        %add3A_85 = arith.addi %add3A_64, %add3A_84 : i32
        %dma_start3A_86 = arith.constant 1 : i32
        %dma_start3A_87 = arith.constant 0 : i32
        %dma_start3A_88 = arith.constant 0 : i32
        %dma_start3A_89 = tpu.memref_slice %arg9[%dma_start3A_86, %dma_start3A_87, %dma_start3A_88] : memref<2x128x128xf32, #tpu.memory_space<vmem>> -> memref<1x128x128xf32, #tpu.memory_space<vmem>>
        %dma_start3A_90 = tpu.memref_squeeze %dma_start3A_89 : memref<1x128x128xf32, #tpu.memory_space<vmem>> -> memref<128x128xf32, #tpu.memory_space<vmem>>
        %dma_start3A_91 = arith.constant 0 : i32
        %dma_start3A_92 = tpu.memref_slice %arg7[%add3A_85, %dma_start3A_91] : memref<40x128xi32, #tpu.memory_space<vmem>> -> memref<1x128xi32, #tpu.memory_space<vmem>>
        %dma_start3A_93 = tpu.memref_squeeze %dma_start3A_92 : memref<1x128xi32, #tpu.memory_space<vmem>> -> memref<128xi32, #tpu.memory_space<vmem>>
        %dma_start3A_94 = arith.constant 0 : i32
        %dma_start3A_95 = arith.constant 0 : i32
        %dma_start3A_96 = tpu.memref_slice %arg2[%dma_start3A_94, %dma_start3A_95] : memref<10000x128xf32, #tpu.memory_space<hbm>> -> memref<10000x128xf32, #tpu.memory_space<hbm>>
        tpu.enqueue_indirect_dma source(%dma_start3A_96 : memref<10000x128xf32, #tpu.memory_space<hbm>>) target(%dma_start3A_90 : memref<128x128xf32, #tpu.memory_space<vmem>>) offsets(%dma_start3A_93 : memref<128xi32, #tpu.memory_space<vmem>>) semaphore(%arg12 : memref<!tpu.dma_semaphore, #tpu.memory_space<semaphore_mem>>)
      } else {
      }
    }
    %scan3A_36 = arith.constant 20 : i32
    %barrier3A_37 = arith.constant 0 : index
    tpu.barrier barrier_id(%barrier3A_37)
    %mul3A_38 = arith.constant 640 : i32
    %mul3A_39 = arith.muli %arg1, %mul3A_38 : i32
    %mul3A_40 = arith.constant 640 : i32
    %mul3A_41 = arith.muli %arg1, %mul3A_40 : i32
    "tpu.region"() ({
      %run_scoped3A = tpu.sem_alloc : memref<!tpu.dma_semaphore, #tpu.memory_space<semaphore_mem>>
      %dma_start3A_42 = arith.constant 0 : i32
      %dma_start3A_43 = tpu.memref_slice %arg6[%arg0, %mul3A_41, %dma_start3A_42] : memref<2x10240x128xf32, #tpu.memory_space<hbm>> -> memref<1x640x128xf32, #tpu.memory_space<hbm>>
      %dma_start3A_44 = tpu.memref_squeeze %dma_start3A_43 : memref<1x640x128xf32, #tpu.memory_space<hbm>> -> memref<640x128xf32, #tpu.memory_space<hbm>>
      %dma_start3A_45 = arith.constant 0 : i32
      %dma_start3A_46 = tpu.memref_slice %arg10[%mul3A_39, %dma_start3A_45] : memref<10240x128xf32, #tpu.memory_space<vmem_shared>> -> memref<640x128xf32, #tpu.memory_space<vmem_shared>>
      tpu.enqueue_dma source(%dma_start3A_46 : memref<640x128xf32, #tpu.memory_space<vmem_shared>>) target(%dma_start3A_44 : memref<640x128xf32, #tpu.memory_space<hbm>>) target_semaphore(%run_scoped3A : memref<!tpu.dma_semaphore, #tpu.memory_space<semaphore_mem>>)
      %dma_wait3A = arith.constant 0 : i32
      %dma_wait3A_47 = tpu.memref_slice %arg6[%arg0, %mul3A_41, %dma_wait3A] : memref<2x10240x128xf32, #tpu.memory_space<hbm>> -> memref<1x640x128xf32, #tpu.memory_space<hbm>>
      %dma_wait3A_48 = tpu.memref_squeeze %dma_wait3A_47 : memref<1x640x128xf32, #tpu.memory_space<hbm>> -> memref<640x128xf32, #tpu.memory_space<hbm>>
      %dma_wait3A_49 = arith.constant 0 : i32
      %dma_wait3A_50 = tpu.memref_slice %arg10[%mul3A_39, %dma_wait3A_49] : memref<10240x128xf32, #tpu.memory_space<vmem_shared>> -> memref<640x128xf32, #tpu.memory_space<vmem_shared>>
      tpu.wait_dma2 semaphore(%run_scoped3A : memref<!tpu.dma_semaphore, #tpu.memory_space<semaphore_mem>>) src(%dma_wait3A_50 : memref<640x128xf32, #tpu.memory_space<vmem_shared>>) dst(%dma_wait3A_48 : memref<640x128xf32, #tpu.memory_space<hbm>>)
      tpu.yield
    }) : () -> ()
    return
  }
}

#map = affine_map<(d0, d1) -> (0, 0)>
#map1 = affine_map<(d0, d1) -> (0)>
module attributes {stable_mosaic.version = 14 : i64} {
  func.func @_deg_kernel(%arg0: i32, %arg1: i32, %arg2: memref<1280x128xi32, #tpu.memory_space<hbm>>, %arg3: memref<10240xf32, #tpu.memory_space<hbm>>, %arg4: memref<2x10240xf32, #tpu.memory_space<hbm>>, %arg5: memref<40x128xi32, #tpu.memory_space<vmem>>, %arg6: memref<128xf32, #tpu.memory_space<vmem>>, %arg7: memref<10240xf32, #tpu.memory_space<vmem_shared>>) attributes {dimension_semantics = [#tpu.dimension_semantics<core_parallel>, #tpu.dimension_semantics<subcore_parallel>], iteration_bounds = array<i64: 2, 16>, scalar_prefetch = 0 : i64, scratch_operands = 3 : i64, tpu.core_type = #tpu.core_type<sc_vector_subcore>, window_params = [{transform_indices = #map}, {transform_indices = #map1}, {transform_indices = #map}]} {
    %mul3A = arith.constant 2 : i32
    %mul3A_0 = arith.muli %arg1, %mul3A : i32
    %add3A = arith.addi %mul3A_0, %arg0 : i32
    %broadcast_in_dim3A = arith.constant 1.000000e+00 : f32
    %broadcast_in_dim3A_1 = vector.broadcast %broadcast_in_dim3A : f32 to vector<16xf32>
    %swap3A = arith.constant 0 : index
    %swap3A_2 = tpu.vector_load %arg6[%swap3A] {strides = array<i32>} : memref<128xf32, #tpu.memory_space<vmem>>, vector<16xf32>,
    %swap3A_3 = vector.shape_cast %swap3A_2 : vector<16xf32> to vector<16xf32>
    %swap3A_4 = vector.shape_cast %broadcast_in_dim3A_1 : vector<16xf32> to vector<16xf32>
    tpu.vector_store %arg6[%swap3A], %swap3A_4 {strides = array<i32>} : memref<128xf32, #tpu.memory_space<vmem>>, vector<16xf32>,
    %broadcast_in_dim3A_5 = arith.constant 1.000000e+00 : f32
    %broadcast_in_dim3A_6 = vector.broadcast %broadcast_in_dim3A_5 : f32 to vector<16xf32>
    %swap3A_7 = arith.constant 16 : index
    %swap3A_8 = tpu.vector_load %arg6[%swap3A_7] {strides = array<i32>} : memref<128xf32, #tpu.memory_space<vmem>>, vector<16xf32>,
    %swap3A_9 = vector.shape_cast %swap3A_8 : vector<16xf32> to vector<16xf32>
    %swap3A_10 = vector.shape_cast %broadcast_in_dim3A_6 : vector<16xf32> to vector<16xf32>
    tpu.vector_store %arg6[%swap3A_7], %swap3A_10 {strides = array<i32>} : memref<128xf32, #tpu.memory_space<vmem>>, vector<16xf32>,
    %broadcast_in_dim3A_11 = arith.constant 1.000000e+00 : f32
    %broadcast_in_dim3A_12 = vector.broadcast %broadcast_in_dim3A_11 : f32 to vector<16xf32>
    %swap3A_13 = arith.constant 32 : index
    %swap3A_14 = tpu.vector_load %arg6[%swap3A_13] {strides = array<i32>} : memref<128xf32, #tpu.memory_space<vmem>>, vector<16xf32>,
    %swap3A_15 = vector.shape_cast %swap3A_14 : vector<16xf32> to vector<16xf32>
    %swap3A_16 = vector.shape_cast %broadcast_in_dim3A_12 : vector<16xf32> to vector<16xf32>
    tpu.vector_store %arg6[%swap3A_13], %swap3A_16 {strides = array<i32>} : memref<128xf32, #tpu.memory_space<vmem>>, vector<16xf32>,
    %broadcast_in_dim3A_17 = arith.constant 1.000000e+00 : f32
    %broadcast_in_dim3A_18 = vector.broadcast %broadcast_in_dim3A_17 : f32 to vector<16xf32>
    %swap3A_19 = arith.constant 48 : index
    %swap3A_20 = tpu.vector_load %arg6[%swap3A_19] {strides = array<i32>} : memref<128xf32, #tpu.memory_space<vmem>>, vector<16xf32>,
    %swap3A_21 = vector.shape_cast %swap3A_20 : vector<16xf32> to vector<16xf32>
    %swap3A_22 = vector.shape_cast %broadcast_in_dim3A_18 : vector<16xf32> to vector<16xf32>
    tpu.vector_store %arg6[%swap3A_19], %swap3A_22 {strides = array<i32>} : memref<128xf32, #tpu.memory_space<vmem>>, vector<16xf32>,
    %broadcast_in_dim3A_23 = arith.constant 1.000000e+00 : f32
    %broadcast_in_dim3A_24 = vector.broadcast %broadcast_in_dim3A_23 : f32 to vector<16xf32>
    %swap3A_25 = arith.constant 64 : index
    %swap3A_26 = tpu.vector_load %arg6[%swap3A_25] {strides = array<i32>} : memref<128xf32, #tpu.memory_space<vmem>>, vector<16xf32>,
    %swap3A_27 = vector.shape_cast %swap3A_26 : vector<16xf32> to vector<16xf32>
    %swap3A_28 = vector.shape_cast %broadcast_in_dim3A_24 : vector<16xf32> to vector<16xf32>
    tpu.vector_store %arg6[%swap3A_25], %swap3A_28 {strides = array<i32>} : memref<128xf32, #tpu.memory_space<vmem>>, vector<16xf32>,
    %broadcast_in_dim3A_29 = arith.constant 1.000000e+00 : f32
    %broadcast_in_dim3A_30 = vector.broadcast %broadcast_in_dim3A_29 : f32 to vector<16xf32>
    %swap3A_31 = arith.constant 80 : index
    %swap3A_32 = tpu.vector_load %arg6[%swap3A_31] {strides = array<i32>} : memref<128xf32, #tpu.memory_space<vmem>>, vector<16xf32>,
    %swap3A_33 = vector.shape_cast %swap3A_32 : vector<16xf32> to vector<16xf32>
    %swap3A_34 = vector.shape_cast %broadcast_in_dim3A_30 : vector<16xf32> to vector<16xf32>
    tpu.vector_store %arg6[%swap3A_31], %swap3A_34 {strides = array<i32>} : memref<128xf32, #tpu.memory_space<vmem>>, vector<16xf32>,
    %broadcast_in_dim3A_35 = arith.constant 1.000000e+00 : f32
    %broadcast_in_dim3A_36 = vector.broadcast %broadcast_in_dim3A_35 : f32 to vector<16xf32>
    %swap3A_37 = arith.constant 96 : index
    %swap3A_38 = tpu.vector_load %arg6[%swap3A_37] {strides = array<i32>} : memref<128xf32, #tpu.memory_space<vmem>>, vector<16xf32>,
    %swap3A_39 = vector.shape_cast %swap3A_38 : vector<16xf32> to vector<16xf32>
    %swap3A_40 = vector.shape_cast %broadcast_in_dim3A_36 : vector<16xf32> to vector<16xf32>
    tpu.vector_store %arg6[%swap3A_37], %swap3A_40 {strides = array<i32>} : memref<128xf32, #tpu.memory_space<vmem>>, vector<16xf32>,
    %broadcast_in_dim3A_41 = arith.constant 1.000000e+00 : f32
    %broadcast_in_dim3A_42 = vector.broadcast %broadcast_in_dim3A_41 : f32 to vector<16xf32>
    %swap3A_43 = arith.constant 112 : index
    %swap3A_44 = tpu.vector_load %arg6[%swap3A_43] {strides = array<i32>} : memref<128xf32, #tpu.memory_space<vmem>>, vector<16xf32>,
    %swap3A_45 = vector.shape_cast %swap3A_44 : vector<16xf32> to vector<16xf32>
    %swap3A_46 = vector.shape_cast %broadcast_in_dim3A_42 : vector<16xf32> to vector<16xf32>
    tpu.vector_store %arg6[%swap3A_43], %swap3A_46 {strides = array<i32>} : memref<128xf32, #tpu.memory_space<vmem>>, vector<16xf32>,
    %mul3A_47 = arith.constant 640 : i32
    %mul3A_48 = arith.muli %arg1, %mul3A_47 : i32
    %mul3A_49 = arith.constant 640 : i32
    %mul3A_50 = arith.muli %arg1, %mul3A_49 : i32
    "tpu.region"() ({
      %run_scoped3A = tpu.sem_alloc : memref<!tpu.dma_semaphore, #tpu.memory_space<semaphore_mem>>
      %dma_start3A = tpu.memref_slice %arg7[%mul3A_50] : memref<10240xf32, #tpu.memory_space<vmem_shared>> -> memref<640xf32, #tpu.memory_space<vmem_shared>>
      %dma_start3A_63 = tpu.memref_slice %arg3[%mul3A_48] : memref<10240xf32, #tpu.memory_space<hbm>> -> memref<640xf32, #tpu.memory_space<hbm>>
      tpu.enqueue_dma source(%dma_start3A_63 : memref<640xf32, #tpu.memory_space<hbm>>) target(%dma_start3A : memref<640xf32, #tpu.memory_space<vmem_shared>>) target_semaphore(%run_scoped3A : memref<!tpu.dma_semaphore, #tpu.memory_space<semaphore_mem>>)
      %dma_wait3A = tpu.memref_slice %arg7[%mul3A_50] : memref<10240xf32, #tpu.memory_space<vmem_shared>> -> memref<640xf32, #tpu.memory_space<vmem_shared>>
      %dma_wait3A_64 = tpu.memref_slice %arg3[%mul3A_48] : memref<10240xf32, #tpu.memory_space<hbm>> -> memref<640xf32, #tpu.memory_space<hbm>>
      tpu.wait_dma2 semaphore(%run_scoped3A : memref<!tpu.dma_semaphore, #tpu.memory_space<semaphore_mem>>) src(%dma_wait3A_64 : memref<640xf32, #tpu.memory_space<hbm>>) dst(%dma_wait3A : memref<640xf32, #tpu.memory_space<vmem_shared>>)
      tpu.yield
    }) : () -> ()
    %mul3A_51 = arith.constant 40 : i32
    %mul3A_52 = arith.muli %add3A, %mul3A_51 : i32
    "tpu.region"() ({
      %run_scoped3A = tpu.sem_alloc : memref<!tpu.dma_semaphore, #tpu.memory_space<semaphore_mem>>
      %dma_start3A = arith.constant 0 : i32
      %dma_start3A_63 = tpu.memref_slice %arg2[%mul3A_52, %dma_start3A] : memref<1280x128xi32, #tpu.memory_space<hbm>> -> memref<40x128xi32, #tpu.memory_space<hbm>>
      %dma_start3A_64 = arith.constant 0 : i32
      %dma_start3A_65 = tpu.memref_slice %arg2[%mul3A_52, %dma_start3A_64] : memref<1280x128xi32, #tpu.memory_space<hbm>> -> memref<40x128xi32, #tpu.memory_space<hbm>>
      tpu.enqueue_dma source(%dma_start3A_65 : memref<40x128xi32, #tpu.memory_space<hbm>>) target(%arg5 : memref<40x128xi32, #tpu.memory_space<vmem>>) target_semaphore(%run_scoped3A : memref<!tpu.dma_semaphore, #tpu.memory_space<semaphore_mem>>)
      %dma_wait3A = arith.constant 0 : i32
      %dma_wait3A_66 = tpu.memref_slice %arg2[%mul3A_52, %dma_wait3A] : memref<1280x128xi32, #tpu.memory_space<hbm>> -> memref<40x128xi32, #tpu.memory_space<hbm>>
      %dma_wait3A_67 = arith.constant 0 : i32
      %dma_wait3A_68 = tpu.memref_slice %arg2[%mul3A_52, %dma_wait3A_67] : memref<1280x128xi32, #tpu.memory_space<hbm>> -> memref<40x128xi32, #tpu.memory_space<hbm>>
      tpu.wait_dma2 semaphore(%run_scoped3A : memref<!tpu.dma_semaphore, #tpu.memory_space<semaphore_mem>>) src(%dma_wait3A_68 : memref<40x128xi32, #tpu.memory_space<hbm>>) dst(%arg5 : memref<40x128xi32, #tpu.memory_space<vmem>>)
      tpu.yield
    }) : () -> ()
    %barrier3A = arith.constant 0 : index
    tpu.barrier barrier_id(%barrier3A)
    %scan3A = arith.constant 0 : i32
    %scan3A_53 = arith.constant 0 : i32
    %scan3A_54 = arith.constant 40 : i32
    %scan3A_55 = arith.addi %scan3A_53, %scan3A_54 : i32
    %scan3A_56 = arith.constant 1 : i32
    scf.for %scan3A_63 = %scan3A_53 to %scan3A_55 step %scan3A_56  : i32 {
      "tpu.region"() ({
        %run_scoped3A = tpu.sem_alloc : memref<!tpu.dma_semaphore, #tpu.memory_space<semaphore_mem>>
        %dma_start3A = arith.constant 0 : i32
        %dma_start3A_64 = tpu.memref_slice %arg5[%scan3A_63, %dma_start3A] : memref<40x128xi32, #tpu.memory_space<vmem>> -> memref<1x128xi32, #tpu.memory_space<vmem>>
        %dma_start3A_65 = tpu.memref_squeeze %dma_start3A_64 : memref<1x128xi32, #tpu.memory_space<vmem>> -> memref<128xi32, #tpu.memory_space<vmem>>
        %dma_start3A_66 = arith.constant 0 : i32
        %dma_start3A_67 = tpu.memref_slice %arg7[%dma_start3A_66] : memref<10240xf32, #tpu.memory_space<vmem_shared>> -> memref<10240xf32, #tpu.memory_space<vmem_shared>>
        tpu.enqueue_indirect_dma source(%arg6 : memref<128xf32, #tpu.memory_space<vmem>>) target(%dma_start3A_67 : memref<10240xf32, #tpu.memory_space<vmem_shared>>) offsets(%dma_start3A_65 : memref<128xi32, #tpu.memory_space<vmem>>) semaphore(%run_scoped3A : memref<!tpu.dma_semaphore, #tpu.memory_space<semaphore_mem>>) {add = true}
        %dma_wait3A = arith.constant 0 : i32
        %dma_wait3A_68 = tpu.memref_slice %arg5[%scan3A_63, %dma_wait3A] : memref<40x128xi32, #tpu.memory_space<vmem>> -> memref<1x128xi32, #tpu.memory_space<vmem>>
        %dma_wait3A_69 = tpu.memref_squeeze %dma_wait3A_68 : memref<1x128xi32, #tpu.memory_space<vmem>> -> memref<128xi32, #tpu.memory_space<vmem>>
        %dma_wait3A_70 = arith.constant 0 : i32
        %dma_wait3A_71 = tpu.memref_slice %arg7[%dma_wait3A_70] : memref<10240xf32, #tpu.memory_space<vmem_shared>> -> memref<10240xf32, #tpu.memory_space<vmem_shared>>
        tpu.wait_indirect_dma semaphore(%run_scoped3A : memref<!tpu.dma_semaphore, #tpu.memory_space<semaphore_mem>>) src(%arg6 : memref<128xf32, #tpu.memory_space<vmem>>) dst(%dma_wait3A_71 : memref<10240xf32, #tpu.memory_space<vmem_shared>>)
        tpu.yield
      }) : () -> ()
    }
    %scan3A_57 = arith.constant 40 : i32
    %barrier3A_58 = arith.constant 0 : index
    tpu.barrier barrier_id(%barrier3A_58)
    %mul3A_59 = arith.constant 640 : i32
    %mul3A_60 = arith.muli %arg1, %mul3A_59 : i32
    %mul3A_61 = arith.constant 640 : i32
    %mul3A_62 = arith.muli %arg1, %mul3A_61 : i32
    "tpu.region"() ({
      %run_scoped3A = tpu.sem_alloc : memref<!tpu.dma_semaphore, #tpu.memory_space<semaphore_mem>>
      %dma_start3A = tpu.memref_slice %arg4[%arg0, %mul3A_62] : memref<2x10240xf32, #tpu.memory_space<hbm>> -> memref<1x640xf32, #tpu.memory_space<hbm>>
      %dma_start3A_63 = tpu.memref_squeeze %dma_start3A : memref<1x640xf32, #tpu.memory_space<hbm>> -> memref<640xf32, #tpu.memory_space<hbm>>
      %dma_start3A_64 = tpu.memref_slice %arg7[%mul3A_60] : memref<10240xf32, #tpu.memory_space<vmem_shared>> -> memref<640xf32, #tpu.memory_space<vmem_shared>>
      tpu.enqueue_dma source(%dma_start3A_64 : memref<640xf32, #tpu.memory_space<vmem_shared>>) target(%dma_start3A_63 : memref<640xf32, #tpu.memory_space<hbm>>) target_semaphore(%run_scoped3A : memref<!tpu.dma_semaphore, #tpu.memory_space<semaphore_mem>>)
      %dma_wait3A = tpu.memref_slice %arg4[%arg0, %mul3A_62] : memref<2x10240xf32, #tpu.memory_space<hbm>> -> memref<1x640xf32, #tpu.memory_space<hbm>>
      %dma_wait3A_65 = tpu.memref_squeeze %dma_wait3A : memref<1x640xf32, #tpu.memory_space<hbm>> -> memref<640xf32, #tpu.memory_space<hbm>>
      %dma_wait3A_66 = tpu.memref_slice %arg7[%mul3A_60] : memref<10240xf32, #tpu.memory_space<vmem_shared>> -> memref<640xf32, #tpu.memory_space<vmem_shared>>
      tpu.wait_dma2 semaphore(%run_scoped3A : memref<!tpu.dma_semaphore, #tpu.memory_space<semaphore_mem>>) src(%dma_wait3A_66 : memref<640xf32, #tpu.memory_space<vmem_shared>>) dst(%dma_wait3A_65 : memref<640xf32, #tpu.memory_space<hbm>>)
      tpu.yield
    }) : () -> ()
    return
  }
}

module attributes {stable_mosaic.version = 14 : i64} {
  func.func @_mm1_body(%arg0: i32, %arg1: memref<1000x768xf32, #tpu.memory_space<vmem>>, %arg2: memref<1000x2xf32, #tpu.memory_space<vmem>>, %arg3: memref<768x128xf32, #tpu.memory_space<vmem>>, %arg4: memref<1000x128xf32, #tpu.memory_space<vmem>>, %arg5: memref<1000x1xf32, #tpu.memory_space<vmem>>) attributes {dimension_semantics = [#tpu.dimension_semantics<arbitrary>], iteration_bounds = array<i64: 10>, scalar_prefetch = 0 : i64, scratch_operands = 0 : i64, tpu.core_type = #tpu.core_type<tc>, window_params = [{transform_indices = @transform_0, window_bounds = array<i64: 1000, 768>}, {transform_indices = @transform_1, window_bounds = array<i64: 1000, 2>}, {pipeline_mode = #tpu.pipeline_mode<synchronous>, transform_indices = @transform_2, window_bounds = array<i64: 768, 128>}, {transform_indices = @transform_3, window_bounds = array<i64: 1000, 128>}, {transform_indices = @transform_4, window_bounds = array<i64: 1000, 1>}]} {
    %get3A = arith.constant 0 : index
    %get3A_0 = arith.constant 0 : index
    %get3A_1 = vector.load %arg2[%get3A, %get3A_0] : memref<1000x2xf32, #tpu.memory_space<vmem>>, vector<1000x1xf32>
    %get3A_2 = arith.constant 0 : index
    %get3A_3 = arith.constant 1 : index
    %get3A_4 = vector.load %arg2[%get3A_2, %get3A_3] : memref<1000x2xf32, #tpu.memory_space<vmem>>, vector<1000x1xf32>
    %add3A = arith.addf %get3A_1, %get3A_4 : vector<1000x1xf32>
    %add3A_5 = arith.constant 1.000000e+00 : f32
    %add3A_6 = vector.broadcast %add3A_5 : f32 to vector<1000x1xf32>
    %add3A_7 = arith.addf %add3A, %add3A_6 : vector<1000x1xf32>
    %rsqrt3A = math.rsqrt %add3A_7 : vector<1000x1xf32>
    %get3A_8 = arith.constant 0 : index
    %get3A_9 = arith.constant 0 : index
    %get3A_10 = vector.load %arg1[%get3A_8, %get3A_9] : memref<1000x768xf32, #tpu.memory_space<vmem>>, vector<1000x768xf32>
    %get3A_11 = arith.constant 0 : index
    %get3A_12 = arith.constant 0 : index
    %get3A_13 = vector.load %arg3[%get3A_11, %get3A_12] : memref<768x128xf32, #tpu.memory_space<vmem>>, vector<768x128xf32>
    %dot_general3A = arith.constant dense<0.000000e+00> : vector<1000x128xf32>
    %dot_general3A_14 = tpu.matmul %get3A_10, %get3A_13, %dot_general3A {dimension_numbers = #tpu.dot_dimension_numbers<[1], [0], [0], [1], [0, 0, 1, 1], [], []>, transpose_lhs_hint = false} : vector<1000x768xf32>, vector<768x128xf32>, vector<1000x128xf32> -> vector<1000x128xf32>
    %mul3A = vector.broadcast %rsqrt3A : vector<1000x1xf32> to vector<1000x128xf32>
    %mul3A_15 = arith.mulf %dot_general3A_14, %mul3A : vector<1000x128xf32>
    %swap3A = arith.constant 0 : index
    %swap3A_16 = arith.constant 0 : index
    %swap3A_17 = vector.load %arg4[%swap3A, %swap3A_16] : memref<1000x128xf32, #tpu.memory_space<vmem>>, vector<1000x128xf32>
    tpu.vector_store %arg4[%swap3A, %swap3A_16], %mul3A_15 {strides = array<i32>} : memref<1000x128xf32, #tpu.memory_space<vmem>>, vector<1000x128xf32>,
    %swap3A_18 = arith.constant 0 : index
    %swap3A_19 = arith.constant 0 : index
    %swap3A_20 = vector.load %arg5[%swap3A_18, %swap3A_19] : memref<1000x1xf32, #tpu.memory_space<vmem>>, vector<1000x1xf32>
    tpu.vector_store %arg5[%swap3A_18, %swap3A_19], %rsqrt3A {strides = array<i32>} : memref<1000x1xf32, #tpu.memory_space<vmem>>, vector<1000x1xf32>,
    return
  }
  func.func @transform_0(%arg0: i32) -> (i32, i32) {
    %c0_i32 = arith.constant 0 : i32
    %c0_i32_0 = arith.constant 0 : i32
    return %arg0, %c0_i32 : i32, i32
  }
  func.func @transform_1(%arg0: i32) -> (i32, i32) {
    %c0_i32 = arith.constant 0 : i32
    %c0_i32_0 = arith.constant 0 : i32
    return %arg0, %c0_i32 : i32, i32
  }
  func.func @transform_2(%arg0: i32) -> (i32, i32) {
    %c0_i32 = arith.constant 0 : i32
    %c0_i32_0 = arith.constant 0 : i32
    %c0_i32_1 = arith.constant 0 : i32
    return %c0_i32, %c0_i32_0 : i32, i32
  }
  func.func @transform_3(%arg0: i32) -> (i32, i32) {
    %c0_i32 = arith.constant 0 : i32
    %c0_i32_0 = arith.constant 0 : i32
    return %arg0, %c0_i32 : i32, i32
  }
  func.func @transform_4(%arg0: i32) -> (i32, i32) {
    %c0_i32 = arith.constant 0 : i32
    %c0_i32_0 = arith.constant 0 : i32
    return %arg0, %c0_i32 : i32, i32
  }
}

module attributes {stable_mosaic.version = 14 : i64} {
  func.func @_mm2_body(%arg0: i32, %arg1: memref<2x1000x128xf32, #tpu.memory_space<vmem>>, %arg2: memref<1000x128xf32, #tpu.memory_space<vmem>>, %arg3: memref<1000x1xf32, #tpu.memory_space<vmem>>, %arg4: memref<1x128xf32, #tpu.memory_space<vmem>>, %arg5: memref<128x128xf32, #tpu.memory_space<vmem>>, %arg6: memref<1000x128xf32, #tpu.memory_space<vmem>>) attributes {dimension_semantics = [#tpu.dimension_semantics<arbitrary>], iteration_bounds = array<i64: 10>, scalar_prefetch = 0 : i64, scratch_operands = 0 : i64, tpu.core_type = #tpu.core_type<tc>, window_params = [{transform_indices = @transform_0, window_bounds = array<i64: 2, 1000, 128>}, {transform_indices = @transform_1, window_bounds = array<i64: 1000, 128>}, {transform_indices = @transform_2, window_bounds = array<i64: 1000, 1>}, {pipeline_mode = #tpu.pipeline_mode<synchronous>, transform_indices = @transform_3, window_bounds = array<i64: 1, 128>}, {pipeline_mode = #tpu.pipeline_mode<synchronous>, transform_indices = @transform_4, window_bounds = array<i64: 128, 128>}, {transform_indices = @transform_5, window_bounds = array<i64: 1000, 128>}]} {
    %get3A = arith.constant 0 : index
    %get3A_0 = arith.constant 0 : index
    %get3A_1 = arith.constant 0 : index
    %get3A_2 = vector.load %arg1[%get3A, %get3A_0, %get3A_1] : memref<2x1000x128xf32, #tpu.memory_space<vmem>>, vector<1x1000x128xf32>
    %get3A_3 = vector.shape_cast %get3A_2 : vector<1x1000x128xf32> to vector<1000x128xf32>
    %get3A_4 = arith.constant 1 : index
    %get3A_5 = arith.constant 0 : index
    %get3A_6 = arith.constant 0 : index
    %get3A_7 = vector.load %arg1[%get3A_4, %get3A_5, %get3A_6] : memref<2x1000x128xf32, #tpu.memory_space<vmem>>, vector<1x1000x128xf32>
    %get3A_8 = vector.shape_cast %get3A_7 : vector<1x1000x128xf32> to vector<1000x128xf32>
    %add3A = arith.addf %get3A_3, %get3A_8 : vector<1000x128xf32>
    %get3A_9 = arith.constant 0 : index
    %get3A_10 = arith.constant 0 : index
    %get3A_11 = vector.load %arg2[%get3A_9, %get3A_10] : memref<1000x128xf32, #tpu.memory_space<vmem>>, vector<1000x128xf32>
    %add3A_12 = arith.addf %add3A, %get3A_11 : vector<1000x128xf32>
    %get3A_13 = arith.constant 0 : index
    %get3A_14 = arith.constant 0 : index
    %get3A_15 = vector.load %arg3[%get3A_13, %get3A_14] : memref<1000x1xf32, #tpu.memory_space<vmem>>, vector<1000x1xf32>
    %mul3A = vector.broadcast %get3A_15 : vector<1000x1xf32> to vector<1000x128xf32>
    %mul3A_16 = arith.mulf %add3A_12, %mul3A : vector<1000x128xf32>
    %get3A_17 = arith.constant 0 : index
    %get3A_18 = arith.constant 0 : index
    %get3A_19 = vector.load %arg4[%get3A_17, %get3A_18] : memref<1x128xf32, #tpu.memory_space<vmem>>, vector<1x128xf32>
    %add3A_20 = vector.broadcast %get3A_19 : vector<1x128xf32> to vector<1000x128xf32>
    %add3A_21 = arith.addf %mul3A_16, %add3A_20 : vector<1000x128xf32>
    %max3A = arith.constant 0.000000e+00 : f32
    %max3A_22 = vector.broadcast %max3A : f32 to vector<1000x128xf32>
    %max3A_23 = arith.maximumf %add3A_21, %max3A_22 : vector<1000x128xf32>
    %get3A_24 = arith.constant 0 : index
    %get3A_25 = arith.constant 0 : index
    %get3A_26 = vector.load %arg5[%get3A_24, %get3A_25] : memref<128x128xf32, #tpu.memory_space<vmem>>, vector<128x128xf32>
    %dot_general3A = arith.constant dense<0.000000e+00> : vector<1000x128xf32>
    %dot_general3A_27 = tpu.matmul %max3A_23, %get3A_26, %dot_general3A {dimension_numbers = #tpu.dot_dimension_numbers<[1], [0], [0], [1], [0, 0, 1, 1], [], []>, transpose_lhs_hint = false} : vector<1000x128xf32>, vector<128x128xf32>, vector<1000x128xf32> -> vector<1000x128xf32>
    %get3A_28 = arith.constant 0 : index
    %get3A_29 = arith.constant 0 : index
    %get3A_30 = vector.load %arg3[%get3A_28, %get3A_29] : memref<1000x1xf32, #tpu.memory_space<vmem>>, vector<1000x1xf32>
    %mul3A_31 = vector.broadcast %get3A_30 : vector<1000x1xf32> to vector<1000x128xf32>
    %mul3A_32 = arith.mulf %dot_general3A_27, %mul3A_31 : vector<1000x128xf32>
    %swap3A = arith.constant 0 : index
    %swap3A_33 = arith.constant 0 : index
    %swap3A_34 = vector.load %arg6[%swap3A, %swap3A_33] : memref<1000x128xf32, #tpu.memory_space<vmem>>, vector<1000x128xf32>
    tpu.vector_store %arg6[%swap3A, %swap3A_33], %mul3A_32 {strides = array<i32>} : memref<1000x128xf32, #tpu.memory_space<vmem>>, vector<1000x128xf32>,
    return
  }
  func.func @transform_0(%arg0: i32) -> (i32, i32, i32) {
    %c0_i32 = arith.constant 0 : i32
    %c0_i32_0 = arith.constant 0 : i32
    %c0_i32_1 = arith.constant 0 : i32
    return %c0_i32, %arg0, %c0_i32_0 : i32, i32, i32
  }
  func.func @transform_1(%arg0: i32) -> (i32, i32) {
    %c0_i32 = arith.constant 0 : i32
    %c0_i32_0 = arith.constant 0 : i32
    return %arg0, %c0_i32 : i32, i32
  }
  func.func @transform_2(%arg0: i32) -> (i32, i32) {
    %c0_i32 = arith.constant 0 : i32
    %c0_i32_0 = arith.constant 0 : i32
    return %arg0, %c0_i32 : i32, i32
  }
  func.func @transform_3(%arg0: i32) -> (i32, i32) {
    %c0_i32 = arith.constant 0 : i32
    %c0_i32_0 = arith.constant 0 : i32
    %c0_i32_1 = arith.constant 0 : i32
    return %c0_i32, %c0_i32_0 : i32, i32
  }
  func.func @transform_4(%arg0: i32) -> (i32, i32) {
    %c0_i32 = arith.constant 0 : i32
    %c0_i32_0 = arith.constant 0 : i32
    %c0_i32_1 = arith.constant 0 : i32
    return %c0_i32, %c0_i32_0 : i32, i32
  }
  func.func @transform_5(%arg0: i32) -> (i32, i32) {
    %c0_i32 = arith.constant 0 : i32
    %c0_i32_0 = arith.constant 0 : i32
    return %arg0, %c0_i32 : i32, i32
  }
}

module attributes {stable_mosaic.version = 14 : i64} {
  func.func @_pool_body(%arg0: i32, %arg1: memref<2x1000x128xf32, #tpu.memory_space<vmem>>, %arg2: memref<1000x128xf32, #tpu.memory_space<vmem>>, %arg3: memref<1000x1xf32, #tpu.memory_space<vmem>>, %arg4: memref<1x128xf32, #tpu.memory_space<vmem>>, %arg5: memref<1000x1xi32, #tpu.memory_space<vmem>>, %arg6: memref<128x20xf32, #tpu.memory_space<vmem>>, %arg7: memref<1x20xf32, #tpu.memory_space<vmem>>, %arg8: memref<64x20xf32, #tpu.memory_space<vmem>>, %arg9: memref<64x128xf32, #tpu.memory_space<vmem>>, %arg10: memref<64x1xf32, #tpu.memory_space<vmem>>) attributes {dimension_semantics = [#tpu.dimension_semantics<arbitrary>], iteration_bounds = array<i64: 10>, scalar_prefetch = 0 : i64, scratch_operands = 2 : i64, tpu.core_type = #tpu.core_type<tc>, window_params = [{transform_indices = @transform_0, window_bounds = array<i64: 2, 1000, 128>}, {transform_indices = @transform_1, window_bounds = array<i64: 1000, 128>}, {transform_indices = @transform_2, window_bounds = array<i64: 1000, 1>}, {pipeline_mode = #tpu.pipeline_mode<synchronous>, transform_indices = @transform_3, window_bounds = array<i64: 1, 128>}, {transform_indices = @transform_4, window_bounds = array<i64: 1000, 1>}, {pipeline_mode = #tpu.pipeline_mode<synchronous>, transform_indices = @transform_5, window_bounds = array<i64: 128, 20>}, {pipeline_mode = #tpu.pipeline_mode<synchronous>, transform_indices = @transform_6, window_bounds = array<i64: 1, 20>}, {pipeline_mode = #tpu.pipeline_mode<synchronous>, transform_indices = @transform_7, window_bounds = array<i64: 64, 20>}]} {
    %eq3A = arith.constant 0 : i32
    %eq3A_0 = arith.cmpi eq, %arg0, %eq3A : i32
    %convert_element_type3A = arith.extui %eq3A_0 : i1 to i32
    %cond3A = arith.constant 0 : i32
    %cond3A_1 = arith.cmpi ne, %convert_element_type3A, %cond3A : i32
    scf.if %cond3A_1 {
      %broadcast_in_dim3A_56 = arith.constant 0.000000e+00 : f32
      %broadcast_in_dim3A_57 = vector.broadcast %broadcast_in_dim3A_56 : f32 to vector<64x128xf32>
      %swap3A_58 = arith.constant 0 : index
      %swap3A_59 = arith.constant 0 : index
      %swap3A_60 = vector.load %arg9[%swap3A_58, %swap3A_59] : memref<64x128xf32, #tpu.memory_space<vmem>>, vector<64x128xf32>
      tpu.vector_store %arg9[%swap3A_58, %swap3A_59], %broadcast_in_dim3A_57 {strides = array<i32>} : memref<64x128xf32, #tpu.memory_space<vmem>>, vector<64x128xf32>,
      %broadcast_in_dim3A_61 = arith.constant 0.000000e+00 : f32
      %broadcast_in_dim3A_62 = vector.broadcast %broadcast_in_dim3A_61 : f32 to vector<64x1xf32>
      %swap3A_63 = arith.constant 0 : index
      %swap3A_64 = arith.constant 0 : index
      %swap3A_65 = vector.load %arg10[%swap3A_63, %swap3A_64] : memref<64x1xf32, #tpu.memory_space<vmem>>, vector<64x1xf32>
      tpu.vector_store %arg10[%swap3A_63, %swap3A_64], %broadcast_in_dim3A_62 {strides = array<i32>} : memref<64x1xf32, #tpu.memory_space<vmem>>, vector<64x1xf32>,
    } else {
    }
    %get3A = arith.constant 0 : index
    %get3A_2 = arith.constant 0 : index
    %get3A_3 = arith.constant 0 : index
    %get3A_4 = vector.load %arg1[%get3A, %get3A_2, %get3A_3] : memref<2x1000x128xf32, #tpu.memory_space<vmem>>, vector<1x1000x128xf32>
    %get3A_5 = vector.shape_cast %get3A_4 : vector<1x1000x128xf32> to vector<1000x128xf32>
    %get3A_6 = arith.constant 1 : index
    %get3A_7 = arith.constant 0 : index
    %get3A_8 = arith.constant 0 : index
    %get3A_9 = vector.load %arg1[%get3A_6, %get3A_7, %get3A_8] : memref<2x1000x128xf32, #tpu.memory_space<vmem>>, vector<1x1000x128xf32>
    %get3A_10 = vector.shape_cast %get3A_9 : vector<1x1000x128xf32> to vector<1000x128xf32>
    %add3A = arith.addf %get3A_5, %get3A_10 : vector<1000x128xf32>
    %get3A_11 = arith.constant 0 : index
    %get3A_12 = arith.constant 0 : index
    %get3A_13 = vector.load %arg2[%get3A_11, %get3A_12] : memref<1000x128xf32, #tpu.memory_space<vmem>>, vector<1000x128xf32>
    %add3A_14 = arith.addf %add3A, %get3A_13 : vector<1000x128xf32>
    %get3A_15 = arith.constant 0 : index
    %get3A_16 = arith.constant 0 : index
    %get3A_17 = vector.load %arg3[%get3A_15, %get3A_16] : memref<1000x1xf32, #tpu.memory_space<vmem>>, vector<1000x1xf32>
    %mul3A = vector.broadcast %get3A_17 : vector<1000x1xf32> to vector<1000x128xf32>
    %mul3A_18 = arith.mulf %add3A_14, %mul3A : vector<1000x128xf32>
    %get3A_19 = arith.constant 0 : index
    %get3A_20 = arith.constant 0 : index
    %get3A_21 = vector.load %arg4[%get3A_19, %get3A_20] : memref<1x128xf32, #tpu.memory_space<vmem>>, vector<1x128xf32>
    %add3A_22 = vector.broadcast %get3A_21 : vector<1x128xf32> to vector<1000x128xf32>
    %add3A_23 = arith.addf %mul3A_18, %add3A_22 : vector<1000x128xf32>
    %max3A = arith.constant 0.000000e+00 : f32
    %max3A_24 = vector.broadcast %max3A : f32 to vector<1000x128xf32>
    %max3A_25 = arith.maximumf %add3A_23, %max3A_24 : vector<1000x128xf32>
    %get3A_26 = arith.constant 0 : index
    %get3A_27 = arith.constant 0 : index
    %get3A_28 = vector.load %arg5[%get3A_26, %get3A_27] : memref<1000x1xi32, #tpu.memory_space<vmem>>, vector<1000x1xi32>
    %iota3A = tpu.iota {dimensions = array<i32: 1>} : vector<1x64xi32>
    %eq3A_29 = vector.broadcast %get3A_28 : vector<1000x1xi32> to vector<1000x64xi32>
    %eq3A_30 = vector.broadcast %iota3A : vector<1x64xi32> to vector<1000x64xi32>
    %eq3A_31 = arith.cmpi eq, %eq3A_29, %eq3A_30 : vector<1000x64xi32>
    %convert_element_type3A_32 = arith.extui %eq3A_31 : vector<1000x64xi1> to vector<1000x64xi32>
    %convert_element_type3A_33 = arith.sitofp %convert_element_type3A_32 : vector<1000x64xi32> to vector<1000x64xf32>
    %get3A_34 = arith.constant 0 : index
    %get3A_35 = arith.constant 0 : index
    %get3A_36 = vector.load %arg9[%get3A_34, %get3A_35] : memref<64x128xf32, #tpu.memory_space<vmem>>, vector<64x128xf32>
    %dot_general3A = arith.constant dense<0.000000e+00> : vector<64x128xf32>
    %dot_general3A_37 = tpu.matmul %convert_element_type3A_33, %max3A_25, %dot_general3A {dimension_numbers = #tpu.dot_dimension_numbers<[0], [0], [1], [1], [0, 1, 1, 1], [], []>, transpose_lhs_hint = false} : vector<1000x64xf32>, vector<1000x128xf32>, vector<64x128xf32> -> vector<64x128xf32>
    %add3A_38 = arith.addf %get3A_36, %dot_general3A_37 : vector<64x128xf32>
    %swap3A = arith.constant 0 : index
    %swap3A_39 = arith.constant 0 : index
    %swap3A_40 = vector.load %arg9[%swap3A, %swap3A_39] : memref<64x128xf32, #tpu.memory_space<vmem>>, vector<64x128xf32>
    tpu.vector_store %arg9[%swap3A, %swap3A_39], %add3A_38 {strides = array<i32>} : memref<64x128xf32, #tpu.memory_space<vmem>>, vector<64x128xf32>,
    %broadcast_in_dim3A = arith.constant 1.000000e+00 : f32
    %broadcast_in_dim3A_41 = vector.broadcast %broadcast_in_dim3A : f32 to vector<1000x1xf32>
    %get3A_42 = arith.constant 0 : index
    %get3A_43 = arith.constant 0 : index
    %get3A_44 = vector.load %arg10[%get3A_42, %get3A_43] : memref<64x1xf32, #tpu.memory_space<vmem>>, vector<64x1xf32>
    %dot_general3A_45 = arith.constant dense<0.000000e+00> : vector<64x1xf32>
    %dot_general3A_46 = tpu.matmul %convert_element_type3A_33, %broadcast_in_dim3A_41, %dot_general3A_45 {dimension_numbers = #tpu.dot_dimension_numbers<[0], [0], [1], [1], [0, 1, 1, 1], [], []>, transpose_lhs_hint = false} : vector<1000x64xf32>, vector<1000x1xf32>, vector<64x1xf32> -> vector<64x1xf32>
    %add3A_47 = arith.addf %get3A_44, %dot_general3A_46 : vector<64x1xf32>
    %swap3A_48 = arith.constant 0 : index
    %swap3A_49 = arith.constant 0 : index
    %swap3A_50 = vector.load %arg10[%swap3A_48, %swap3A_49] : memref<64x1xf32, #tpu.memory_space<vmem>>, vector<64x1xf32>
    tpu.vector_store %arg10[%swap3A_48, %swap3A_49], %add3A_47 {strides = array<i32>} : memref<64x1xf32, #tpu.memory_space<vmem>>, vector<64x1xf32>,
    %eq3A_51 = arith.constant 9 : i32
    %eq3A_52 = arith.cmpi eq, %arg0, %eq3A_51 : i32
    %convert_element_type3A_53 = arith.extui %eq3A_52 : i1 to i32
    %cond3A_54 = arith.constant 0 : i32
    %cond3A_55 = arith.cmpi ne, %convert_element_type3A_53, %cond3A_54 : i32
    scf.if %cond3A_55 {
      %get3A_56 = arith.constant 0 : index
      %get3A_57 = arith.constant 0 : index
      %get3A_58 = vector.load %arg9[%get3A_56, %get3A_57] : memref<64x128xf32, #tpu.memory_space<vmem>>, vector<64x128xf32>
      %get3A_59 = arith.constant 0 : index
      %get3A_60 = arith.constant 0 : index
      %get3A_61 = vector.load %arg10[%get3A_59, %get3A_60] : memref<64x1xf32, #tpu.memory_space<vmem>>, vector<64x1xf32>
      %max3A_62 = arith.constant 1.000000e+00 : f32
      %max3A_63 = vector.broadcast %max3A_62 : f32 to vector<64x1xf32>
      %max3A_64 = arith.maximumf %get3A_61, %max3A_63 : vector<64x1xf32>
      %div3A = vector.broadcast %max3A_64 : vector<64x1xf32> to vector<64x128xf32>
      %div3A_65 = arith.divf %get3A_58, %div3A : vector<64x128xf32>
      %get3A_66 = arith.constant 0 : index
      %get3A_67 = arith.constant 0 : index
      %get3A_68 = vector.load %arg6[%get3A_66, %get3A_67] : memref<128x20xf32, #tpu.memory_space<vmem>>, vector<128x20xf32>
      %dot_general3A_69 = arith.constant dense<0.000000e+00> : vector<64x20xf32>
      %dot_general3A_70 = tpu.matmul %div3A_65, %get3A_68, %dot_general3A_69 {dimension_numbers = #tpu.dot_dimension_numbers<[1], [0], [0], [1], [0, 0, 1, 1], [], []>, transpose_lhs_hint = false} : vector<64x128xf32>, vector<128x20xf32>, vector<64x20xf32> -> vector<64x20xf32>
      %get3A_71 = arith.constant 0 : index
      %get3A_72 = arith.constant 0 : index
      %get3A_73 = vector.load %arg7[%get3A_71, %get3A_72] : memref<1x20xf32, #tpu.memory_space<vmem>>, vector<1x20xf32>
      %add3A_74 = vector.broadcast %get3A_73 : vector<1x20xf32> to vector<64x20xf32>
      %add3A_75 = arith.addf %dot_general3A_70, %add3A_74 : vector<64x20xf32>
      %swap3A_76 = arith.constant 0 : index
      %swap3A_77 = arith.constant 0 : index
      %swap3A_78 = vector.load %arg8[%swap3A_76, %swap3A_77] : memref<64x20xf32, #tpu.memory_space<vmem>>, vector<64x20xf32>
      tpu.vector_store %arg8[%swap3A_76, %swap3A_77], %add3A_75 {strides = array<i32>} : memref<64x20xf32, #tpu.memory_space<vmem>>, vector<64x20xf32>,
    } else {
    }
    return
  }
  func.func @transform_0(%arg0: i32) -> (i32, i32, i32) {
    %c0_i32 = arith.constant 0 : i32
    %c0_i32_0 = arith.constant 0 : i32
    %c0_i32_1 = arith.constant 0 : i32
    return %c0_i32, %arg0, %c0_i32_0 : i32, i32, i32
  }
  func.func @transform_1(%arg0: i32) -> (i32, i32) {
    %c0_i32 = arith.constant 0 : i32
    %c0_i32_0 = arith.constant 0 : i32
    return %arg0, %c0_i32 : i32, i32
  }
  func.func @transform_2(%arg0: i32) -> (i32, i32) {
    %c0_i32 = arith.constant 0 : i32
    %c0_i32_0 = arith.constant 0 : i32
    return %arg0, %c0_i32 : i32, i32
  }
  func.func @transform_3(%arg0: i32) -> (i32, i32) {
    %c0_i32 = arith.constant 0 : i32
    %c0_i32_0 = arith.constant 0 : i32
    %c0_i32_1 = arith.constant 0 : i32
    return %c0_i32, %c0_i32_0 : i32, i32
  }
  func.func @transform_4(%arg0: i32) -> (i32, i32) {
    %c0_i32 = arith.constant 0 : i32
    %c0_i32_0 = arith.constant 0 : i32
    return %arg0, %c0_i32 : i32, i32
  }
  func.func @transform_5(%arg0: i32) -> (i32, i32) {
    %c0_i32 = arith.constant 0 : i32
    %c0_i32_0 = arith.constant 0 : i32
    %c0_i32_1 = arith.constant 0 : i32
    return %c0_i32, %c0_i32_0 : i32, i32
  }
  func.func @transform_6(%arg0: i32) -> (i32, i32) {
    %c0_i32 = arith.constant 0 : i32
    %c0_i32_0 = arith.constant 0 : i32
    %c0_i32_1 = arith.constant 0 : i32
    return %c0_i32, %c0_i32_0 : i32, i32
  }
  func.func @transform_7(%arg0: i32) -> (i32, i32) {
    %c0_i32 = arith.constant 0 : i32
    %c0_i32_0 = arith.constant 0 : i32
    %c0_i32_1 = arith.constant 0 : i32
    return %c0_i32, %c0_i32_0 : i32, i32
  }
}

</mosaic_0001>

<sc_bundles>
// kernel: kernel.11.cloned.1.call-start
scs
__scs_entry_jumppad:
0x0: {  	(pc) =	sbr.rel $0x88, $3  }
0x1: {  	(tag) =	ssettag $0x0;
	lr =	simm.s32 $0x1  }
0x2: {  	[smem:$0x3F98] =	sst lr;
	_ =	strace $0xD0000000  }
0x3: {  	_ = 	snop  }
0x4: {  	_ = 	snop  }
0x5: {  	_ = 	snop  }
0x6: {  	_ = 	snop  }
0x7: {  	_ = 	snop  }
__scs_overlays_trampoline_lowered:
0x8: {  	[smem:$0x3FA7] =	sst s0  }
0x9: {  	[smem:$0x3FA8] =	sst s1  }
0xa: {  	[smem:$0x3FA9] =	sst s2  }
0xb: {  	[smem:$0x3FAA] =	sst s3  }
0xc: {  	[smem:$0x3FAB] =	sst s4  }
0xd: {  	[smem:$0x3FAC] =	sst s5  }
0xe: {  	[smem:$0x3FAD] =	sst s6  }
0xf: {  	[smem:$0x3FAE] =	sst s7  }
0x10: {  	[smem:$0x3FAF] =	sst s8  }
0x11: {  	[smem:$0x3FB0] =	sst s9;
	s0 =	simm.s32 @!p0 $0x0  }
0x12: {  	s1 =	sld [smem:$0x3F96];
	s0 =	simm.s32 @p0 $0x1  }
0x13: {  	[smem:$0x3FB1] =	sst s0;
	s0 =	simm.s32 @!p1 $0x0  }
0x14: {  	s2 =	sld [smem:$0x3F95];
	s0 =	simm.s32 @p1 $0x1  }
0x15: {  	[smem:$0x3FB2] =	sst s0;
	s0 =	simm.s32 @!p2 $0x0  }
0x16: {  	s3 =	sld [smem:$0x3FDB];
	s0 =	simm.s32 @p2 $0x1  }
0x17: {  	s4 =	simm.s32 $0x1BF5;
	[smem:$0x3FB4] =	sst s0  }
0x18: {  	s0 =	sld [smem:$0x3F97];
	_ =	swait.ge [sflag:s4], $0x0  }
0x19: {  	s7 =	sld [smem:$0x3F98]  }
0x1a: {  	s8 =	sadd.s32 $0xFFFFE003, lr  }
0x1b: {  	s9 =	sadd.s32 $0xFFFFFEF7, lr;
	s5 =	simm.s32 $0xFFFFFFFF;
	p2 =	slt.u32 s8, $0xFFFFF086  }
0x1c: {  	p1 =	slt.u32 s9, $0xF7A;
	s5 =	simm.s32 @!p2 $0x0  }
0x1d: {  	s5 =	simm.s32 @p1 $0x1;
	p0 =	seq.s32 s7, s2  }
0x1e: {  	s7 =	smul.u32 @!p0 $0xF7A, s2;
	p2 =	seq.s32 @!p0 s5, $0x0  }
0x1f: {  	s9 =	smul.u32 $0xF7A, s1;
	s8 =	simm.s32 @!p0 $0x1BF5;
	p2 =	por !p2, p0  }
0x20: {  	[sflag:s8] =	ssyncset.s32 @!p0 $0xFFFFF086;
	s6 =	sadd.s32 @!p0 s3, s7;
	s7 =	simm.s32 @!p0 $0x108  }
0x21: {  	s3 =	sadd.s32 s3, s9;
	s6 =	sadd.s32 @!p0 $0x88, s6;
	s7 =	simm.s32 @p2 $0x1082  }
0x22: {  	[simem:s7], [sflag:s8] =	dma.local @!p0 [hbm:s6], $0xF7A  }
0x23: {  	s9 =	sor.u32 $0xD0000000, s2;
	s6 =	simm.s32 $0x108;
	_ =	swait.ge @!p0 [sflag:s8], $0x0  }
0x24: {  	s3 =	sadd.s32 $0x88, s3;
	s6 =	simm.s32 @!p1 $0x1082;
	[sflag:s4] =	ssyncset.s32 $0xFFFFF086  }
0x25: {  	[simem:s6], [sflag:s4] =	dma.local [hbm:s3], $0xF7A  }
0x26: {  	[smem:$0x3F98] =	sst s1;
	(tag) =	ssettag s2;
	_ =	strace s9  }
0x27: {  	s1 =	sld [smem:$0x3FA8]  }
0x28: {  	s2 =	sld [smem:$0x3FA9]  }
0x29: {  	s4 =	sld [smem:$0x3FAB]  }
0x2a: {  	p0 =	seq.s32 s5, $0x0;
	s5 =	sld [smem:$0x3FAC]  }
0x2b: {  	s6 =	sld [smem:$0x3FAD]  }
0x2c: {  	s7 =	sld [smem:$0x3FAE]  }
0x2d: {  	s3 =	simm.s32 $0x108;
	s8 =	sld [smem:$0x3FAF]  }
0x2e: {  	s3 =	simm.s32 @!p0 $0x1082;
	s9 =	sld [smem:$0x3FB0]  }
0x2f: {  	lr =	sadd.s32 s0, s3;
	s0 =	sld [smem:$0x3FA7]  }
0x30: {  	s3 =	sld [smem:$0x3FAA]  }
0x31: {  	[smem:$0x3FB3] =	sst s10  }
0x32: {  	s10 =	sld [smem:$0x3FB1];
	_ =	sdelay $0x3  }
0x33: {  	p0 =	seq.s32 s10, $0x1;
	s10 =	sld [smem:$0x3FB3];
	_ =	sdelay $0x3  }
0x34: {  	[smem:$0x3FB3] =	sst s10  }
0x35: {  	s10 =	sld [smem:$0x3FB2];
	_ =	sdelay $0x3  }
0x36: {  	p1 =	seq.s32 s10, $0x1;
	s10 =	sld [smem:$0x3FB3];
	_ =	sdelay $0x3  }
0x37: {  	[smem:$0x3FB3] =	sst s10  }
0x38: {  	s10 =	sld [smem:$0x3FB4]  }
0x39: {  	_ = 	snop;
	(pc) =	sbr.ind lr, $3  }
0x3a: {  	_ = 	snop  }
0x3b: {  	_ = 	snop  }
0x3c: {  	p2 =	seq.s32 s10, $0x1;
	s10 =	sld [smem:$0x3FB3]  }
0x3d: {  	_ =	shalt  }
0x3e: {  	_ =	shalt  }
0x3f: {  	_ =	shalt  }
0x40: {  	_ =	shalt  }
0x41: {  	_ =	shalt  }
0x42: {  	_ =	shalt  }
0x43: {  	_ =	shalt  }
0x44: {  	_ =	shalt  }
0x45: {  	_ =	shalt  }
0x46: {  	_ =	shalt  }
0x47: {  	_ =	shalt  }
0x48: {  	_ =	shalt  }
0x49: {  	_ =	shalt  }
0x4a: {  	_ =	shalt  }
0x4b: {  	_ =	shalt  }
0x4c: {  	_ =	shalt  }
0x4d: {  	_ =	shalt  }
0x4e: {  	_ =	shalt  }
0x4f: {  	_ =	shalt  }
0x50: {  	_ =	shalt  }
0x51: {  	_ =	shalt  }
0x52: {  	_ =	shalt  }
0x53: {  	_ =	shalt  }
0x54: {  	_ =	shalt  }
0x55: {  	_ =	shalt  }
0x56: {  	_ =	shalt  }
0x57: {  	_ =	shalt  }
0x58: {  	_ =	shalt  }
0x59: {  	_ =	shalt  }
0x5a: {  	_ =	shalt  }
0x5b: {  	_ =	shalt  }
0x5c: {  	_ =	shalt  }
0x5d: {  	_ =	shalt  }
0x5e: {  	_ =	shalt  }
0x5f: {  	_ =	shalt  }
0x60: {  	_ =	shalt  }
0x61: {  	_ =	shalt  }
0x62: {  	_ =	shalt  }
0x63: {  	_ =	shalt  }
0x64: {  	_ =	shalt  }
0x65: {  	_ =	shalt  }
0x66: {  	_ =	shalt  }
0x67: {  	_ =	shalt  }
0x68: {  	_ =	shalt  }
0x69: {  	_ =	shalt  }
0x6a: {  	_ =	shalt  }
0x6b: {  	_ =	shalt  }
0x6c: {  	_ =	shalt  }
0x6d: {  	_ =	shalt  }
0x6e: {  	_ =	shalt  }
0x6f: {  	_ =	shalt  }
0x70: {  	_ =	shalt  }
0x71: {  	_ =	shalt  }
0x72: {  	_ =	shalt  }
0x73: {  	_ =	shalt  }
0x74: {  	_ =	shalt  }
0x75: {  	_ =	shalt  }
0x76: {  	_ =	shalt  }
0x77: {  	_ =	shalt  }
0x78: {  	_ =	shalt  }
0x79: {  	_ =	shalt  }
0x7a: {  	_ =	shalt  }
0x7b: {  	_ =	shalt  }
0x7c: {  	_ =	shalt  }
0x7d: {  	_ =	shalt  }
0x7e: {  	_ =	shalt  }
0x7f: {  	_ =	shalt  }
0x80: {  	_ =	shalt  }
0x81: {  	_ =	shalt  }
0x82: {  	_ =	shalt  }
0x83: {  	_ =	shalt  }
0x84: {  	_ =	shalt  }
0x85: {  	_ =	shalt  }
0x86: {  	_ =	shalt  }
0x87: {  	_ =	shalt  }
.Lfunc_end0:
.L_simem_size_0:
called_computation.1_lowered:
.L_overlay_start_0:
0x88: {  	s2 =	sld [smem:$0x3FD9]  }
0x89: {  	s3 =	sld [smem:$0x3FFE];
	_ =	sdelay $0x1  }
0x8a: {  	s1 =	srdreg.scid  }
0x8b: {  	s0 =	sand.u32 $0x1, s1  }
0x8c: {  	s16 =	sshll.u32 s0, $0xA;
	s2 =	sadd.s32 s3, s2  }
0x8d: {  	s2 =	sadd.s32 s2, s16  }
0x8e: {  	[smem:$0x3FBF] =	sst s2  }
0x8f: {  	_ = 	snop  }
0x90: {  	(tm) =	ssettm $0x1  }
0x91: {  	s17 =	sld [smem:$0x3FFB];
	_ =	sdelay $0x3  }
0x92: {  	_ =	strace s17  }
0x93: {  	s2 =	sld [smem:$0x3FFC];
	_ =	sdelay $0x3  }
0x94: {  	_ =	strace s2  }
0x95: {  	s2 =	sld [smem:$0x3FFD];
	_ =	sdelay $0x3  }
0x96: {  	_ =	strace s2  }
0x97: {  	_ =	strace $0x8FFFFFFF  }
0x98: {  	s18 =	sld [smem:$0x3FDB];
	_ =	sdelay $0x1  }
0x99: {  	s19 =	simm.s32 $_scs_section_size  }
0x9a: {  	s4 =	simm.s32 $_size__tile_overlayer_lowered;
	s5 =	simm.s32 $_tile_overlayer_lowered  }
0x9b: {  	s22 =	simm.s32 $0x1BFF;
	s21 =	sshll.u32 s5, $0x1;
	s2 =	sadd.s32 s19, s18  }
0x9c: {  	s6 =	simm.s32 $0x0;
	s20 =	sshll.u32 s4, $0x1;
	s4 =	sadd.s32 s21, s2  }
0x9d: {  	[timem:s6], [sflag:s22] =	dma.local [hbm:s4], s20  }
0x9e: {  	_ =	swait.ge [sflag:s22], s20  }
0x9f: {  	s3 =	ssub.s32 $0x0, s20;
	[sflag:s22] =	ssyncset.done $0x0  }
0xa0: {  	[sflag:s22] =	ssyncadd.s32 s3;
	_ =	sdelay $0x1  }
0xa1: {  	s23 =	simm.s32 $0x1B8B  }
0xa2: {  	_ =	swait.ge [sflag:s23], $0x1  }
0xa3: {  	[sflag:s23] =	ssyncset.done $0x0  }
0xa4: {  	s25 =	simm.s32 $0x1B8E;
	s24 =	sld [smem:$0x3FFE];
	[sflag:s23] =	ssyncadd.s32 $0xFFFFFFFF  }
0xa5: {  	s26 =	simm.s32 $execute0_lowered;
	[smem:$0x3FD2] =	sst s25  }
0xa6: {  	s4 =	sshll.u32 s26, $0x1;
	_ =	strace $0x80000049;
	[dreg:$0x1] =	wrdreg $0xFFFFFFFF  }
0xa7: {  	s28 =	simm.s32 $_size_execute0_lowered;
	s2 =	sadd.s32 s2, s4;
	[dreg:$0x0] =	wrdreg $0x0  }
0xa8: {  	s4 =	sshll.u32 s28, $0x1;
	[dreg:$0x2] =	wrdreg s2  }
0xa9: {  	[dreg:$0x3] =	wrdreg s4  }
0xaa: {  	[dreg:$0x4] =	wrdreg $0xC0  }
0xab: {  	_ =	task [dreg:s6], $0x5FFFF  }
0xac: {  	[dreg:$0x1] =	wrdreg $0xFFFFFFFF  }
0xad: {  	[dreg:$0x0] =	wrdreg $0x60  }
0xae: {  	[dreg:$0x2] =	wrdreg s24  }
0xaf: {  	[dreg:$0x3] =	wrdreg $0xA8000  }
0xb0: {  	[dreg:$0x4] =	wrdreg $0x9  }
0xb1: {  	_ =	task.clear_ibuf [dreg:s6], $0x5FFFF;
	_ =	strace $0x90000049  }
0xb2: {  	s29 =	simm.s32 $0x9;
	_ =	strace $0x8000004B  }
0xb3: {  	_ =	swait.ge [sflag:s29], $0x1  }
0xb4: {  	[sflag:s29] =	ssyncadd.s32 $0xFFFFFFFF  }
0xb5: {  	_ =	strace $0x9000004B  }
0xb6: {  	_ =	sfence  }
0xb7: {  	s30 =	sld [smem:$0x0];
	_ =	sdelay $0x2  }
0xb8: {  	s31 =	sshll.u32 s1, $0xD;
	s1 =	sshrl.u32 s1, $0x2  }
0xb9: {  	s3 =	sand.u32 $0x4000, s31;
	s1 =	sadd.s32 s1, s30  }
0xba: {  	s0 =	sor.u32 s3, s0;
	s1 =	sshll.u32 s1, $0x11  }
0xbb: {  	s0 =	sor.u32 s1, s0  }
0xbc: {  	s0 =	sadd.s32 $0x8F2B, s0  }
0xbd: {  	[sflag:s0] =	ssyncadd.remote.s32 $0x1  }
0xbe: {  	_ =	sfence.sel $0xFFFF  }
0xbf: {  	[dreg:$0x0] =	wrdreg $0xFFFFFFFF;
	(pc) =	sbr.abs _section_cstart, $3  }
0xc0: {  	[dreg:$0x1] =	wrdreg $0xFFFFFFFF  }
0xc1: {  	_ =	task.clear_ibuf [dreg:s6], $0x2FFFF;
	_ =	strace $0x9FFFFFFF  }
0xc2: {  	(tm) =	ssettm $0x7FFFFFFF  }
0xc3: {  	_ =	shalt  }
tec
execute0_lowered:
.L_overlay_start_1:
0x0: {  	(tag) =	ssettag $0x1  }
0x1: {  	s1 =	srdreg.scid  }
0x2: {  	s0 =	stileid.u32;
	s6 =	rddreg [dreg:$0x0]  }
0x3: {  	s2 =	rddreg [dreg:$0x1];
	s3 =	simm.s32 $0x0;
	s14 =	simm.s32 $0x80  }
0x4: {  	s15 =	simm.s32 $0x2800;
	s16 =	simm.s32 $0x6800;
	s17 =	simm.s32 $0x1  }
0x5: {  	s18 =	simm.s32 $0x2;
	s19 =	simm.s32 $0x2700;
	s20 =	simm.s32 $0x2780  }
0x6: {  	s21 =	simm.s32 $0x0;
	s5 =	sand.u32 $0x1, s1;
	s8 =	smul.u32 $0x14000, s0  }
0x7: {  	s25 =	sshll.u32 s0, $0x1;
	[smem:$0x7FF] =	sst s3;
	s28 =	smul.u32 $0x50000, s0  }
0x8: {  	s4 =	sadd.s32 $0xBE00, s6;
	s1 =	sor.u32 s5, s25;
	s9 =	smul.u32 $0x140000, s5  }
0x9: {  	s31 =	sshll.u32 s0, $0x6;
	s5 =	ssub.s32 $0x2, s5;
	s7 =	smul.u32 $0x280, s1  }
0xa: {  	s1 =	rddreg [dreg:$0x2];
	_ =	strace $0x8000004A;
	s26 =	sshrl.u32 s8, $0x3  }
0xb: {  	s29 =	sshrl.u32 s5, $0x1;
	s30 =	sshrl.u32 s28, $0x2;
	s8 =	sadd.s32 s8, s9  }
0xc: {  	s12 =	ssub.s32 s5, s29;
	s13 =	sadd.s32 s30, s2;
	s8 =	sshrl.u32 s8, $0x3  }
0xd: {  	s10 =	sadd.s32 s7, s6;
	s7 =	sadd.s32 s26, s6;
	s11 =	sadd.s32 s8, s6  }
0xe: {  	s5 =	sadd.s32 $0x33000, s7;
	s6 =	sor.u32 $0x1C03, s31;
	s7 =	sadd.s32 $0x1E00, s10  }
0xf: {  	s8 =	sadd.s32 $0x6E00, s10;
	s10 =	smax.u32 s12, $0x1;
	s12 =	simm.s32 $0x3  }
0x10: {  	s9 =	sadd.s32 $0x5B000, s11;
	s11 =	sshrl.u32 s13, $0x3;
	s13 =	simm.s32 $0x1400  }
.LBB2_1:
0x11: {  	[spmem:s11], [sflag:s6] =	dma.local [hbm:s5], $0x2800  }
0x12: {  	_ =	swait.ge [sflag:s12], $0x2800  }
0x13: {  	[sflag:s12] =	ssyncset.done $0x0  }
0x14: {  	[sflag:s12] =	ssyncadd.s32 $0xFFFFD800  }
0x15: {  	[tilespmem:s3], [sflag:$0x3] =	stream.linear.gather [hbm4b:s7+s3], $0x1400, $0x38;
	[tilespmem:$0x1E800] =	vst v63  }
0x16: {  	_ =	swait.ge [sflag:s12], $0x1400  }
0x17: {  	[sflag:s12] =	ssyncset.done $0x0  }
0x18: {  	[sflag:s12] =	ssyncadd.s32 $0xFFFFEC00  }
0x19: {  	[tilespmem:s13], [sflag:$0x3] =	stream.linear.gather [hbm4b:s8+s3], $0x1400, $0x38;
	[tilespmem:$0x1E800] =	vst v63  }
0x1a: {  	_ =	swait.ge [sflag:s12], $0x1400  }
0x1b: {  	[sflag:s12] =	ssyncset.done $0x0  }
0x1c: {  	[sflag:s12] =	ssyncadd.s32 $0xFFFFEC00  }
0x1d: {  	[bflag:$0x0] =	sbarrier.arrive $0xFFFF  }
0x1e: {  	[tilespmem:s15], [sflag:$0x1] =	stream.indirect.gather [hbm4b:s4+s14], $0x80, s3, s14, $0xb8;
	[tilespmem:$0x1E800] =	vst v63  }
0x1f: {  	_ = 	snop  }
0x20: {  	[tilespmem:s16], [sflag:$0x2] =	stream.indirect.gather [hbm4b:s4+s14], $0x80, s14, s14, $0xb8;
	[tilespmem:$0x1E800] =	vst v63  }
0x21: {  	_ =	swait.ge [sflag:s17], $0x4000  }
0x22: {  	[sflag:s17] =	ssyncset.done $0x0  }
0x23: {  	s22 =	simm.s32 $0x1400;
	[sflag:s17] =	ssyncadd.s32 $0xFFFFC000  }
0x24: {  	[spmem:s2] =	stream.indirect.scatter.add.f32 [tilespmem:s15], [sflag:$0x3], $0x80, s22, s14, $0xb8;
	[tilespmem:$0x1E800] =	vst v63  }
0x25: {  	_ =	swait.ge [sflag:s12], $0x4000  }
0x26: {  	[sflag:s12] =	ssyncset.done $0x0  }
0x27: {  	s30 =	simm.s32 $0x100;
	[sflag:s12] =	ssyncadd.s32 $0xFFFFC000  }
0x28: {  	[tilespmem:s15], [sflag:$0x1] =	stream.indirect.gather [hbm4b:s4+s14], $0x80, s30, s14, $0xb8;
	[tilespmem:$0x1E800] =	vst v63  }
0x29: {  	_ =	swait.ge [sflag:s18], $0x4000  }
0x2a: {  	[sflag:s18] =	ssyncset.done $0x0  }
0x2b: {  	s31 =	simm.s32 $0x1480;
	[sflag:s18] =	ssyncadd.s32 $0xFFFFC000  }
0x2c: {  	[spmem:s2] =	stream.indirect.scatter.add.f32 [tilespmem:s16], [sflag:$0x3], $0x80, s31, s14, $0xb8;
	[tilespmem:$0x1E800] =	vst v63  }
0x2d: {  	_ =	swait.ge [sflag:s12], $0x4000  }
0x2e: {  	[sflag:s12] =	ssyncset.done $0x0  }
0x2f: {  	s23 =	simm.s32 $0x180;
	s22 =	simm.s32 $0x400;
	[sflag:s12] =	ssyncadd.s32 $0xFFFFC000  }
.LBB2_2:
0x30: {  	[tilespmem:s16], [sflag:$0x2] =	stream.indirect.gather [hbm4b:s4+s14], $0x80, s23, s14, $0xb8;
	[tilespmem:$0x1E800] =	vst v63  }
0x31: {  	s23 =	smov.u32 s22  }
0x32: {  	p0 =	sne.s32 s22, $0x4800;
	s22 =	sadd.s32 $0x400, s22;
	_ =	swait.ge [sflag:s17], $0x4000  }
0x33: {  	s23 =	sshra.s32 s23, $0x2;
	[sflag:s17] =	ssyncset.done $0x0  }
0x34: {  	s24 =	sadd.s32 $0x1400, s23;
	[sflag:s17] =	ssyncadd.s32 $0xFFFFC000  }
0x35: {  	[spmem:s2] =	stream.indirect.scatter.add.f32 [tilespmem:s15], [sflag:$0x3], $0x80, s24, s14, $0xb8;
	[tilespmem:$0x1E800] =	vst v63  }
0x36: {  	_ =	swait.ge [sflag:s12], $0x4000  }
0x37: {  	[sflag:s12] =	ssyncset.done $0x0  }
0x38: {  	s24 =	sadd.s32 $0x100, s23;
	[sflag:s12] =	ssyncadd.s32 $0xFFFFC000  }
0x39: {  	[tilespmem:s15], [sflag:$0x1] =	stream.indirect.gather [hbm4b:s4+s14], $0x80, s24, s14, $0xb8;
	[tilespmem:$0x1E800] =	vst v63  }
0x3a: {  	_ =	swait.ge [sflag:s18], $0x4000  }
0x3b: {  	[sflag:s18] =	ssyncset.done $0x0  }
.Ltmp0:
0x3c: {  	s24 =	sadd.s32 $0x1480, s23;
	[sflag:s18] =	ssyncadd.s32 $0xFFFFC000;
	(pc) =	sbr.rel @p0 .LBB2_2-.Ltmp0, $4  }
0x3d: {  	[spmem:s2] =	stream.indirect.scatter.add.f32 [tilespmem:s16], [sflag:$0x3], $0x80, s24, s14, $0xb8;
	[tilespmem:$0x1E800] =	vst v63  }
0x3e: {  	_ =	swait.ge [sflag:s12], $0x4000  }
0x3f: {  	[sflag:s12] =	ssyncset.done $0x0  }
0x40: {  	s23 =	sadd.s32 $0x180, s23;
	[sflag:s12] =	ssyncadd.s32 $0xFFFFC000  }
0x41: {  	[tilespmem:s16], [sflag:$0x2] =	stream.indirect.gather [hbm4b:s4+s14], $0x80, s23, s14, $0xb8;
	[tilespmem:$0x1E800] =	vst v63  }
0x42: {  	_ =	swait.ge [sflag:s17], $0x4000  }
0x43: {  	[sflag:s17] =	ssyncset.done $0x0  }
0x44: {  	[sflag:s17] =	ssyncadd.s32 $0xFFFFC000  }
0x45: {  	[spmem:s2] =	stream.indirect.scatter.add.f32 [tilespmem:s15], [sflag:$0x3], $0x80, s19, s14, $0xb8;
	[tilespmem:$0x1E800] =	vst v63  }
0x46: {  	_ =	swait.ge [sflag:s12], $0x4000  }
0x47: {  	[sflag:s12] =	ssyncset.done $0x0  }
0x48: {  	[sflag:s12] =	ssyncadd.s32 $0xFFFFC000  }
0x49: {  	_ =	swait.ge [sflag:s18], $0x4000  }
0x4a: {  	[sflag:s18] =	ssyncset.done $0x0  }
0x4b: {  	[sflag:s18] =	ssyncadd.s32 $0xFFFFC000  }
0x4c: {  	[spmem:s2] =	stream.indirect.scatter.add.f32 [tilespmem:s16], [sflag:$0x3], $0x80, s20, s14, $0xb8;
	[tilespmem:$0x1E800] =	vst v63  }
0x4d: {  	_ =	swait.ge [sflag:s12], $0x4000  }
0x4e: {  	s21 =	sadd.s32 $0x1, s21;
	[sflag:s12] =	ssyncset.done $0x0  }
0x4f: {  	p0 =	sne.s32 s21, s10;
	[sflag:s12] =	ssyncadd.s32 $0xFFFFC000  }
.Ltmp1:
0x50: {  	[bflag:$0x0] =	sbarrier.arrive $0xFFFF;
	(pc) =	sbr.rel @p0 .LBB2_1-.Ltmp1, $4  }
0x51: {  	[hbm:s9], [sflag:s6] =	dma.local [spmem:s11], $0x2800  }
0x52: {  	_ =	swait.ge [sflag:s12], $0x2800  }
0x53: {  	[sflag:s12] =	ssyncset.done $0x0  }
0x54: {  	[sflag:s12] =	ssyncadd.s32 $0xFFFFD800  }
0x55: {  	_ =	sfence.sel $0x180000  }
0x56: {  	[bflag:$0x0] =	sbarrier.arrive $0xFFFF  }
0x57: {  	p0 =	sne.s32 s0, $0x0;
	_ =	strace $0x9000004A  }
0x58: {  	s0 =	sadd.s32 @!p0 $0x100000, s1;
	[bflag:$0x2] =	sbarrier.arrive $0xFFFF  }
0x59: {  	[sflag:s0] =	ssyncadd.tile.s32 @!p0 $0x1;
	_ =	shalt  }
.Lfunc_end2:
_tile_overlayer_lowered:
.L_overlay_start_2:
0x5a: {  	(tag) =	ssettag $0x2  }
0x5b: {  	s0 =	rddreg [dreg:$0x0];
	s2 =	stileid.u32  }
0x5c: {  	s1 =	rddreg [dreg:$0x1];
	p0 =	sne.s32 s2, $0x0  }
0x5d: {  	s3 =	rddreg [dreg:$0x2];
	[bflag:$0x3] =	sbarrier.arrive $0xFFFF;
	s2 =	simm.s32 @!p0 $0x1C03  }
0x5e: {  	[timem:s3], [sflag:s2] =	dma.local @!p0 [hbm:s0], s1  }
0x5f: {  	s0 =	simm.s32 @!p0 $0x3  }
0x60: {  	_ =	swait.ge @!p0 [sflag:s0], s1  }
0x61: {  	s1 =	ssub.s32 @!p0 $0x0, s1;
	[sflag:s0] =	ssyncset.done @!p0 $0x0  }
0x62: {  	[sflag:s0] =	ssyncadd.s32 @!p0 s1  }
0x63: {  	[bflag:$0x3] =	sbarrier.arrive $0xFFFF  }
0x64: {  	_ =	shalt  }

// kernel: kernel.14.cloned.1.call-start
scs
__scs_entry_jumppad:
0x0: {  	(pc) =	sbr.rel $0x88, $3  }
0x1: {  	(tag) =	ssettag $0x0;
	lr =	simm.s32 $0x1  }
0x2: {  	[smem:$0x3F98] =	sst lr;
	_ =	strace $0xD0000000  }
0x3: {  	_ = 	snop  }
0x4: {  	_ = 	snop  }
0x5: {  	_ = 	snop  }
0x6: {  	_ = 	snop  }
0x7: {  	_ = 	snop  }
__scs_overlays_trampoline_lowered:
0x8: {  	[smem:$0x3FA7] =	sst s0  }
0x9: {  	[smem:$0x3FA8] =	sst s1  }
0xa: {  	[smem:$0x3FA9] =	sst s2  }
0xb: {  	[smem:$0x3FAA] =	sst s3  }
0xc: {  	[smem:$0x3FAB] =	sst s4  }
0xd: {  	[smem:$0x3FAC] =	sst s5  }
0xe: {  	[smem:$0x3FAD] =	sst s6  }
0xf: {  	[smem:$0x3FAE] =	sst s7  }
0x10: {  	[smem:$0x3FAF] =	sst s8  }
0x11: {  	[smem:$0x3FB0] =	sst s9;
	s0 =	simm.s32 @!p0 $0x0  }
0x12: {  	s1 =	sld [smem:$0x3F96];
	s0 =	simm.s32 @p0 $0x1  }
0x13: {  	[smem:$0x3FB1] =	sst s0;
	s0 =	simm.s32 @!p1 $0x0  }
0x14: {  	s2 =	sld [smem:$0x3F95];
	s0 =	simm.s32 @p1 $0x1  }
0x15: {  	[smem:$0x3FB2] =	sst s0;
	s0 =	simm.s32 @!p2 $0x0  }
0x16: {  	s3 =	sld [smem:$0x3FDB];
	s0 =	simm.s32 @p2 $0x1  }
0x17: {  	s4 =	simm.s32 $0x1BF5;
	[smem:$0x3FB4] =	sst s0  }
0x18: {  	s0 =	sld [smem:$0x3F97];
	_ =	swait.ge [sflag:s4], $0x0  }
0x19: {  	s7 =	sld [smem:$0x3F98]  }
0x1a: {  	s8 =	sadd.s32 $0xFFFFE003, lr  }
0x1b: {  	s9 =	sadd.s32 $0xFFFFFEF7, lr;
	s5 =	simm.s32 $0xFFFFFFFF;
	p2 =	slt.u32 s8, $0xFFFFF086  }
0x1c: {  	p1 =	slt.u32 s9, $0xF7A;
	s5 =	simm.s32 @!p2 $0x0  }
0x1d: {  	s5 =	simm.s32 @p1 $0x1;
	p0 =	seq.s32 s7, s2  }
0x1e: {  	s7 =	smul.u32 @!p0 $0xF7A, s2;
	p2 =	seq.s32 @!p0 s5, $0x0  }
0x1f: {  	s9 =	smul.u32 $0xF7A, s1;
	s8 =	simm.s32 @!p0 $0x1BF5;
	p2 =	por !p2, p0  }
0x20: {  	[sflag:s8] =	ssyncset.s32 @!p0 $0xFFFFF086;
	s6 =	sadd.s32 @!p0 s3, s7;
	s7 =	simm.s32 @!p0 $0x108  }
0x21: {  	s3 =	sadd.s32 s3, s9;
	s6 =	sadd.s32 @!p0 $0x88, s6;
	s7 =	simm.s32 @p2 $0x1082  }
0x22: {  	[simem:s7], [sflag:s8] =	dma.local @!p0 [hbm:s6], $0xF7A  }
0x23: {  	s9 =	sor.u32 $0xD0000000, s2;
	s6 =	simm.s32 $0x108;
	_ =	swait.ge @!p0 [sflag:s8], $0x0  }
0x24: {  	s3 =	sadd.s32 $0x88, s3;
	s6 =	simm.s32 @!p1 $0x1082;
	[sflag:s4] =	ssyncset.s32 $0xFFFFF086  }
0x25: {  	[simem:s6], [sflag:s4] =	dma.local [hbm:s3], $0xF7A  }
0x26: {  	[smem:$0x3F98] =	sst s1;
	(tag) =	ssettag s2;
	_ =	strace s9  }
0x27: {  	s1 =	sld [smem:$0x3FA8]  }
0x28: {  	s2 =	sld [smem:$0x3FA9]  }
0x29: {  	s4 =	sld [smem:$0x3FAB]  }
0x2a: {  	p0 =	seq.s32 s5, $0x0;
	s5 =	sld [smem:$0x3FAC]  }
0x2b: {  	s6 =	sld [smem:$0x3FAD]  }
0x2c: {  	s7 =	sld [smem:$0x3FAE]  }
0x2d: {  	s3 =	simm.s32 $0x108;
	s8 =	sld [smem:$0x3FAF]  }
0x2e: {  	s3 =	simm.s32 @!p0 $0x1082;
	s9 =	sld [smem:$0x3FB0]  }
0x2f: {  	lr =	sadd.s32 s0, s3;
	s0 =	sld [smem:$0x3FA7]  }
0x30: {  	s3 =	sld [smem:$0x3FAA]  }
0x31: {  	[smem:$0x3FB3] =	sst s10  }
0x32: {  	s10 =	sld [smem:$0x3FB1];
	_ =	sdelay $0x3  }
0x33: {  	p0 =	seq.s32 s10, $0x1;
	s10 =	sld [smem:$0x3FB3];
	_ =	sdelay $0x3  }
0x34: {  	[smem:$0x3FB3] =	sst s10  }
0x35: {  	s10 =	sld [smem:$0x3FB2];
	_ =	sdelay $0x3  }
0x36: {  	p1 =	seq.s32 s10, $0x1;
	s10 =	sld [smem:$0x3FB3];
	_ =	sdelay $0x3  }
0x37: {  	[smem:$0x3FB3] =	sst s10  }
0x38: {  	s10 =	sld [smem:$0x3FB4]  }
0x39: {  	_ = 	snop;
	(pc) =	sbr.ind lr, $3  }
0x3a: {  	_ = 	snop  }
0x3b: {  	_ = 	snop  }
0x3c: {  	p2 =	seq.s32 s10, $0x1;
	s10 =	sld [smem:$0x3FB3]  }
0x3d: {  	_ =	shalt  }
0x3e: {  	_ =	shalt  }
0x3f: {  	_ =	shalt  }
0x40: {  	_ =	shalt  }
0x41: {  	_ =	shalt  }
0x42: {  	_ =	shalt  }
0x43: {  	_ =	shalt  }
0x44: {  	_ =	shalt  }
0x45: {  	_ =	shalt  }
0x46: {  	_ =	shalt  }
0x47: {  	_ =	shalt  }
0x48: {  	_ =	shalt  }
0x49: {  	_ =	shalt  }
0x4a: {  	_ =	shalt  }
0x4b: {  	_ =	shalt  }
0x4c: {  	_ =	shalt  }
0x4d: {  	_ =	shalt  }
0x4e: {  	_ =	shalt  }
0x4f: {  	_ =	shalt  }
0x50: {  	_ =	shalt  }
0x51: {  	_ =	shalt  }
0x52: {  	_ =	shalt  }
0x53: {  	_ =	shalt  }
0x54: {  	_ =	shalt  }
0x55: {  	_ =	shalt  }
0x56: {  	_ =	shalt  }
0x57: {  	_ =	shalt  }
0x58: {  	_ =	shalt  }
0x59: {  	_ =	shalt  }
0x5a: {  	_ =	shalt  }
0x5b: {  	_ =	shalt  }
0x5c: {  	_ =	shalt  }
0x5d: {  	_ =	shalt  }
0x5e: {  	_ =	shalt  }
0x5f: {  	_ =	shalt  }
0x60: {  	_ =	shalt  }
0x61: {  	_ =	shalt  }
0x62: {  	_ =	shalt  }
0x63: {  	_ =	shalt  }
0x64: {  	_ =	shalt  }
0x65: {  	_ =	shalt  }
0x66: {  	_ =	shalt  }
0x67: {  	_ =	shalt  }
0x68: {  	_ =	shalt  }
0x69: {  	_ =	shalt  }
0x6a: {  	_ =	shalt  }
0x6b: {  	_ =	shalt  }
0x6c: {  	_ =	shalt  }
0x6d: {  	_ =	shalt  }
0x6e: {  	_ =	shalt  }
0x6f: {  	_ =	shalt  }
0x70: {  	_ =	shalt  }
0x71: {  	_ =	shalt  }
0x72: {  	_ =	shalt  }
0x73: {  	_ =	shalt  }
0x74: {  	_ =	shalt  }
0x75: {  	_ =	shalt  }
0x76: {  	_ =	shalt  }
0x77: {  	_ =	shalt  }
0x78: {  	_ =	shalt  }
0x79: {  	_ =	shalt  }
0x7a: {  	_ =	shalt  }
0x7b: {  	_ =	shalt  }
0x7c: {  	_ =	shalt  }
0x7d: {  	_ =	shalt  }
0x7e: {  	_ =	shalt  }
0x7f: {  	_ =	shalt  }
0x80: {  	_ =	shalt  }
0x81: {  	_ =	shalt  }
0x82: {  	_ =	shalt  }
0x83: {  	_ =	shalt  }
0x84: {  	_ =	shalt  }
0x85: {  	_ =	shalt  }
0x86: {  	_ =	shalt  }
0x87: {  	_ =	shalt  }
.Lfunc_end0:
.L_simem_size_0:
called_computation.2_lowered:
.L_overlay_start_0:
0x88: {  	s2 =	sld [smem:$0x3FD9]  }
0x89: {  	s3 =	sld [smem:$0x3FFE];
	_ =	sdelay $0x1  }
0x8a: {  	s1 =	srdreg.scid  }
0x8b: {  	s0 =	sand.u32 $0x1, s1  }
0x8c: {  	s16 =	sshll.u32 s0, $0xA;
	s2 =	sadd.s32 s3, s2  }
0x8d: {  	s2 =	sadd.s32 s2, s16  }
0x8e: {  	[smem:$0x3FBF] =	sst s2  }
0x8f: {  	_ = 	snop  }
0x90: {  	(tm) =	ssettm $0x1  }
0x91: {  	s17 =	sld [smem:$0x3FFB];
	_ =	sdelay $0x3  }
0x92: {  	_ =	strace s17  }
0x93: {  	s2 =	sld [smem:$0x3FFC];
	_ =	sdelay $0x3  }
0x94: {  	_ =	strace s2  }
0x95: {  	s2 =	sld [smem:$0x3FFD];
	_ =	sdelay $0x3  }
0x96: {  	_ =	strace s2  }
0x97: {  	_ =	strace $0x8FFFFFFF  }
0x98: {  	s18 =	sld [smem:$0x3FDB];
	_ =	sdelay $0x1  }
0x99: {  	s19 =	simm.s32 $_scs_section_size  }
0x9a: {  	s4 =	simm.s32 $_size__tile_overlayer_lowered;
	s5 =	simm.s32 $_tile_overlayer_lowered  }
0x9b: {  	s22 =	simm.s32 $0x1BFF;
	s21 =	sshll.u32 s5, $0x1;
	s2 =	sadd.s32 s19, s18  }
0x9c: {  	s6 =	simm.s32 $0x0;
	s20 =	sshll.u32 s4, $0x1;
	s4 =	sadd.s32 s21, s2  }
0x9d: {  	[timem:s6], [sflag:s22] =	dma.local [hbm:s4], s20  }
0x9e: {  	_ =	swait.ge [sflag:s22], s20  }
0x9f: {  	s3 =	ssub.s32 $0x0, s20;
	[sflag:s22] =	ssyncset.done $0x0  }
0xa0: {  	[sflag:s22] =	ssyncadd.s32 s3;
	_ =	sdelay $0x1  }
0xa1: {  	s23 =	simm.s32 $0x1B8B  }
0xa2: {  	_ =	swait.ge [sflag:s23], $0x1  }
0xa3: {  	[sflag:s23] =	ssyncset.done $0x0  }
0xa4: {  	s25 =	simm.s32 $0x1B8E;
	s24 =	sld [smem:$0x3FFE];
	[sflag:s23] =	ssyncadd.s32 $0xFFFFFFFF  }
0xa5: {  	s26 =	simm.s32 $execute0_lowered;
	[smem:$0x3FD2] =	sst s25  }
0xa6: {  	s4 =	sshll.u32 s26, $0x1;
	_ =	strace $0x8000004C;
	[dreg:$0x1] =	wrdreg $0xFFFFFFFF  }
0xa7: {  	s28 =	simm.s32 $_size_execute0_lowered;
	s2 =	sadd.s32 s2, s4;
	[dreg:$0x0] =	wrdreg $0x0  }
0xa8: {  	s4 =	sshll.u32 s28, $0x1;
	[dreg:$0x2] =	wrdreg s2  }
0xa9: {  	[dreg:$0x3] =	wrdreg s4  }
0xaa: {  	[dreg:$0x4] =	wrdreg $0xC0  }
0xab: {  	_ =	task [dreg:s6], $0x5FFFF  }
0xac: {  	[dreg:$0x1] =	wrdreg $0xFFFFFFFF  }
0xad: {  	[dreg:$0x0] =	wrdreg $0x60  }
0xae: {  	[dreg:$0x2] =	wrdreg s24  }
0xaf: {  	[dreg:$0x3] =	wrdreg $0xA8000  }
0xb0: {  	[dreg:$0x4] =	wrdreg $0x9  }
0xb1: {  	_ =	task.clear_ibuf [dreg:s6], $0x5FFFF;
	_ =	strace $0x9000004C  }
0xb2: {  	s29 =	simm.s32 $0x9;
	_ =	strace $0x8000004E  }
0xb3: {  	_ =	swait.ge [sflag:s29], $0x1  }
0xb4: {  	[sflag:s29] =	ssyncadd.s32 $0xFFFFFFFF  }
0xb5: {  	_ =	strace $0x9000004E  }
0xb6: {  	_ =	sfence  }
0xb7: {  	s30 =	sld [smem:$0x0];
	_ =	sdelay $0x2  }
0xb8: {  	s31 =	sshll.u32 s1, $0xD;
	s1 =	sshrl.u32 s1, $0x2  }
0xb9: {  	s3 =	sand.u32 $0x4000, s31;
	s1 =	sadd.s32 s1, s30  }
0xba: {  	s0 =	sor.u32 s3, s0;
	s1 =	sshll.u32 s1, $0x11  }
0xbb: {  	s0 =	sor.u32 s1, s0  }
0xbc: {  	s0 =	sadd.s32 $0x8F2B, s0  }
0xbd: {  	[sflag:s0] =	ssyncadd.remote.s32 $0x1  }
0xbe: {  	_ =	sfence.sel $0xFFFF  }
0xbf: {  	[dreg:$0x0] =	wrdreg $0xFFFFFFFF;
	(pc) =	sbr.abs _section_cstart, $3  }
0xc0: {  	[dreg:$0x1] =	wrdreg $0xFFFFFFFF  }
0xc1: {  	_ =	task.clear_ibuf [dreg:s6], $0x2FFFF;
	_ =	strace $0x9FFFFFFF  }
0xc2: {  	(tm) =	ssettm $0x7FFFFFFF  }
0xc3: {  	_ =	shalt  }
tec
execute0_lowered:
.L_overlay_start_1:
0x0: {  	(tag) =	ssettag $0x1  }
0x1: {  	s1 =	srdreg.scid  }
0x2: {  	s0 =	stileid.u32;
	s6 =	rddreg [dreg:$0x0]  }
0x3: {  	s2 =	rddreg [dreg:$0x1];
	s3 =	simm.s32 $0x0;
	s14 =	simm.s32 $0x80  }
0x4: {  	s15 =	simm.s32 $0x2800;
	s16 =	simm.s32 $0x6800;
	s17 =	simm.s32 $0x1  }
0x5: {  	s18 =	simm.s32 $0x2;
	s19 =	simm.s32 $0x2700;
	s20 =	simm.s32 $0x2780  }
0x6: {  	s21 =	simm.s32 $0x0;
	s5 =	sand.u32 $0x1, s1;
	s8 =	smul.u32 $0x14000, s0  }
0x7: {  	s25 =	sshll.u32 s0, $0x1;
	[smem:$0x7FF] =	sst s3;
	s28 =	smul.u32 $0x50000, s0  }
0x8: {  	s4 =	sadd.s32 $0xBE00, s6;
	s1 =	sor.u32 s5, s25;
	s9 =	smul.u32 $0x140000, s5  }
0x9: {  	s31 =	sshll.u32 s0, $0x6;
	s5 =	ssub.s32 $0x2, s5;
	s7 =	smul.u32 $0x280, s1  }
0xa: {  	s1 =	rddreg [dreg:$0x2];
	_ =	strace $0x8000004D;
	s26 =	sshrl.u32 s8, $0x3  }
0xb: {  	s29 =	sshrl.u32 s5, $0x1;
	s30 =	sshrl.u32 s28, $0x2;
	s8 =	sadd.s32 s8, s9  }
0xc: {  	s12 =	ssub.s32 s5, s29;
	s13 =	sadd.s32 s30, s2;
	s8 =	sshrl.u32 s8, $0x3  }
0xd: {  	s10 =	sadd.s32 s7, s6;
	s7 =	sadd.s32 s26, s6;
	s11 =	sadd.s32 s8, s6  }
0xe: {  	s5 =	sadd.s32 $0x33000, s7;
	s6 =	sor.u32 $0x1C03, s31;
	s7 =	sadd.s32 $0x1E00, s10  }
0xf: {  	s8 =	sadd.s32 $0x6E00, s10;
	s10 =	smax.u32 s12, $0x1;
	s12 =	simm.s32 $0x3  }
0x10: {  	s9 =	sadd.s32 $0x5B000, s11;
	s11 =	sshrl.u32 s13, $0x3;
	s13 =	simm.s32 $0x1400  }
.LBB2_1:
0x11: {  	[spmem:s11], [sflag:s6] =	dma.local [hbm:s5], $0x2800  }
0x12: {  	_ =	swait.ge [sflag:s12], $0x2800  }
0x13: {  	[sflag:s12] =	ssyncset.done $0x0  }
0x14: {  	[sflag:s12] =	ssyncadd.s32 $0xFFFFD800  }
0x15: {  	[tilespmem:s3], [sflag:$0x3] =	stream.linear.gather [hbm4b:s7+s3], $0x1400, $0x38;
	[tilespmem:$0x1E800] =	vst v63  }
0x16: {  	_ =	swait.ge [sflag:s12], $0x1400  }
0x17: {  	[sflag:s12] =	ssyncset.done $0x0  }
0x18: {  	[sflag:s12] =	ssyncadd.s32 $0xFFFFEC00  }
0x19: {  	[tilespmem:s13], [sflag:$0x3] =	stream.linear.gather [hbm4b:s8+s3], $0x1400, $0x38;
	[tilespmem:$0x1E800] =	vst v63  }
0x1a: {  	_ =	swait.ge [sflag:s12], $0x1400  }
0x1b: {  	[sflag:s12] =	ssyncset.done $0x0  }
0x1c: {  	[sflag:s12] =	ssyncadd.s32 $0xFFFFEC00  }
0x1d: {  	[bflag:$0x0] =	sbarrier.arrive $0xFFFF  }
0x1e: {  	[tilespmem:s15], [sflag:$0x1] =	stream.indirect.gather [hbm4b:s4+s14], $0x80, s3, s14, $0xb8;
	[tilespmem:$0x1E800] =	vst v63  }
0x1f: {  	_ = 	snop  }
0x20: {  	[tilespmem:s16], [sflag:$0x2] =	stream.indirect.gather [hbm4b:s4+s14], $0x80, s14, s14, $0xb8;
	[tilespmem:$0x1E800] =	vst v63  }
0x21: {  	_ =	swait.ge [sflag:s17], $0x4000  }
0x22: {  	[sflag:s17] =	ssyncset.done $0x0  }
0x23: {  	s22 =	simm.s32 $0x1400;
	[sflag:s17] =	ssyncadd.s32 $0xFFFFC000  }
0x24: {  	[spmem:s2] =	stream.indirect.scatter.add.f32 [tilespmem:s15], [sflag:$0x3], $0x80, s22, s14, $0xb8;
	[tilespmem:$0x1E800] =	vst v63  }
0x25: {  	_ =	swait.ge [sflag:s12], $0x4000  }
0x26: {  	[sflag:s12] =	ssyncset.done $0x0  }
0x27: {  	s30 =	simm.s32 $0x100;
	[sflag:s12] =	ssyncadd.s32 $0xFFFFC000  }
0x28: {  	[tilespmem:s15], [sflag:$0x1] =	stream.indirect.gather [hbm4b:s4+s14], $0x80, s30, s14, $0xb8;
	[tilespmem:$0x1E800] =	vst v63  }
0x29: {  	_ =	swait.ge [sflag:s18], $0x4000  }
0x2a: {  	[sflag:s18] =	ssyncset.done $0x0  }
0x2b: {  	s31 =	simm.s32 $0x1480;
	[sflag:s18] =	ssyncadd.s32 $0xFFFFC000  }
0x2c: {  	[spmem:s2] =	stream.indirect.scatter.add.f32 [tilespmem:s16], [sflag:$0x3], $0x80, s31, s14, $0xb8;
	[tilespmem:$0x1E800] =	vst v63  }
0x2d: {  	_ =	swait.ge [sflag:s12], $0x4000  }
0x2e: {  	[sflag:s12] =	ssyncset.done $0x0  }
0x2f: {  	s23 =	simm.s32 $0x180;
	s22 =	simm.s32 $0x400;
	[sflag:s12] =	ssyncadd.s32 $0xFFFFC000  }
.LBB2_2:
0x30: {  	[tilespmem:s16], [sflag:$0x2] =	stream.indirect.gather [hbm4b:s4+s14], $0x80, s23, s14, $0xb8;
	[tilespmem:$0x1E800] =	vst v63  }
0x31: {  	s23 =	smov.u32 s22  }
0x32: {  	p0 =	sne.s32 s22, $0x4800;
	s22 =	sadd.s32 $0x400, s22;
	_ =	swait.ge [sflag:s17], $0x4000  }
0x33: {  	s23 =	sshra.s32 s23, $0x2;
	[sflag:s17] =	ssyncset.done $0x0  }
0x34: {  	s24 =	sadd.s32 $0x1400, s23;
	[sflag:s17] =	ssyncadd.s32 $0xFFFFC000  }
0x35: {  	[spmem:s2] =	stream.indirect.scatter.add.f32 [tilespmem:s15], [sflag:$0x3], $0x80, s24, s14, $0xb8;
	[tilespmem:$0x1E800] =	vst v63  }
0x36: {  	_ =	swait.ge [sflag:s12], $0x4000  }
0x37: {  	[sflag:s12] =	ssyncset.done $0x0  }
0x38: {  	s24 =	sadd.s32 $0x100, s23;
	[sflag:s12] =	ssyncadd.s32 $0xFFFFC000  }
0x39: {  	[tilespmem:s15], [sflag:$0x1] =	stream.indirect.gather [hbm4b:s4+s14], $0x80, s24, s14, $0xb8;
	[tilespmem:$0x1E800] =	vst v63  }
0x3a: {  	_ =	swait.ge [sflag:s18], $0x4000  }
0x3b: {  	[sflag:s18] =	ssyncset.done $0x0  }
.Ltmp0:
0x3c: {  	s24 =	sadd.s32 $0x1480, s23;
	[sflag:s18] =	ssyncadd.s32 $0xFFFFC000;
	(pc) =	sbr.rel @p0 .LBB2_2-.Ltmp0, $4  }
0x3d: {  	[spmem:s2] =	stream.indirect.scatter.add.f32 [tilespmem:s16], [sflag:$0x3], $0x80, s24, s14, $0xb8;
	[tilespmem:$0x1E800] =	vst v63  }
0x3e: {  	_ =	swait.ge [sflag:s12], $0x4000  }
0x3f: {  	[sflag:s12] =	ssyncset.done $0x0  }
0x40: {  	s23 =	sadd.s32 $0x180, s23;
	[sflag:s12] =	ssyncadd.s32 $0xFFFFC000  }
0x41: {  	[tilespmem:s16], [sflag:$0x2] =	stream.indirect.gather [hbm4b:s4+s14], $0x80, s23, s14, $0xb8;
	[tilespmem:$0x1E800] =	vst v63  }
0x42: {  	_ =	swait.ge [sflag:s17], $0x4000  }
0x43: {  	[sflag:s17] =	ssyncset.done $0x0  }
0x44: {  	[sflag:s17] =	ssyncadd.s32 $0xFFFFC000  }
0x45: {  	[spmem:s2] =	stream.indirect.scatter.add.f32 [tilespmem:s15], [sflag:$0x3], $0x80, s19, s14, $0xb8;
	[tilespmem:$0x1E800] =	vst v63  }
0x46: {  	_ =	swait.ge [sflag:s12], $0x4000  }
0x47: {  	[sflag:s12] =	ssyncset.done $0x0  }
0x48: {  	[sflag:s12] =	ssyncadd.s32 $0xFFFFC000  }
0x49: {  	_ =	swait.ge [sflag:s18], $0x4000  }
0x4a: {  	[sflag:s18] =	ssyncset.done $0x0  }
0x4b: {  	[sflag:s18] =	ssyncadd.s32 $0xFFFFC000  }
0x4c: {  	[spmem:s2] =	stream.indirect.scatter.add.f32 [tilespmem:s16], [sflag:$0x3], $0x80, s20, s14, $0xb8;
	[tilespmem:$0x1E800] =	vst v63  }
0x4d: {  	_ =	swait.ge [sflag:s12], $0x4000  }
0x4e: {  	s21 =	sadd.s32 $0x1, s21;
	[sflag:s12] =	ssyncset.done $0x0  }
0x4f: {  	p0 =	sne.s32 s21, s10;
	[sflag:s12] =	ssyncadd.s32 $0xFFFFC000  }
.Ltmp1:
0x50: {  	[bflag:$0x0] =	sbarrier.arrive $0xFFFF;
	(pc) =	sbr.rel @p0 .LBB2_1-.Ltmp1, $4  }
0x51: {  	[hbm:s9], [sflag:s6] =	dma.local [spmem:s11], $0x2800  }
0x52: {  	_ =	swait.ge [sflag:s12], $0x2800  }
0x53: {  	[sflag:s12] =	ssyncset.done $0x0  }
0x54: {  	[sflag:s12] =	ssyncadd.s32 $0xFFFFD800  }
0x55: {  	_ =	sfence.sel $0x180000  }
0x56: {  	[bflag:$0x0] =	sbarrier.arrive $0xFFFF  }
0x57: {  	p0 =	sne.s32 s0, $0x0;
	_ =	strace $0x9000004D  }
0x58: {  	s0 =	sadd.s32 @!p0 $0x100000, s1;
	[bflag:$0x2] =	sbarrier.arrive $0xFFFF  }
0x59: {  	[sflag:s0] =	ssyncadd.tile.s32 @!p0 $0x1;
	_ =	shalt  }
.Lfunc_end2:
_tile_overlayer_lowered:
.L_overlay_start_2:
0x5a: {  	(tag) =	ssettag $0x2  }
0x5b: {  	s0 =	rddreg [dreg:$0x0];
	s2 =	stileid.u32  }
0x5c: {  	s1 =	rddreg [dreg:$0x1];
	p0 =	sne.s32 s2, $0x0  }
0x5d: {  	s3 =	rddreg [dreg:$0x2];
	[bflag:$0x3] =	sbarrier.arrive $0xFFFF;
	s2 =	simm.s32 @!p0 $0x1C03  }
0x5e: {  	[timem:s3], [sflag:s2] =	dma.local @!p0 [hbm:s0], s1  }
0x5f: {  	s0 =	simm.s32 @!p0 $0x3  }
0x60: {  	_ =	swait.ge @!p0 [sflag:s0], s1  }
0x61: {  	s1 =	ssub.s32 @!p0 $0x0, s1;
	[sflag:s0] =	ssyncset.done @!p0 $0x0  }
0x62: {  	[sflag:s0] =	ssyncadd.s32 @!p0 s1  }
0x63: {  	[bflag:$0x3] =	sbarrier.arrive $0xFFFF  }
0x64: {  	_ =	shalt  }

// kernel: kernel.8.cloned.1.call-start
scs
__scs_entry_jumppad:
0x0: {  	(pc) =	sbr.rel $0x88, $3  }
0x1: {  	(tag) =	ssettag $0x0;
	lr =	simm.s32 $0x1  }
0x2: {  	[smem:$0x3F98] =	sst lr;
	_ =	strace $0xD0000000  }
0x3: {  	_ = 	snop  }
0x4: {  	_ = 	snop  }
0x5: {  	_ = 	snop  }
0x6: {  	_ = 	snop  }
0x7: {  	_ = 	snop  }
__scs_overlays_trampoline_lowered:
0x8: {  	[smem:$0x3FA7] =	sst s0  }
0x9: {  	[smem:$0x3FA8] =	sst s1  }
0xa: {  	[smem:$0x3FA9] =	sst s2  }
0xb: {  	[smem:$0x3FAA] =	sst s3  }
0xc: {  	[smem:$0x3FAB] =	sst s4  }
0xd: {  	[smem:$0x3FAC] =	sst s5  }
0xe: {  	[smem:$0x3FAD] =	sst s6  }
0xf: {  	[smem:$0x3FAE] =	sst s7  }
0x10: {  	[smem:$0x3FAF] =	sst s8  }
0x11: {  	[smem:$0x3FB0] =	sst s9;
	s0 =	simm.s32 @!p0 $0x0  }
0x12: {  	s1 =	sld [smem:$0x3F96];
	s0 =	simm.s32 @p0 $0x1  }
0x13: {  	[smem:$0x3FB1] =	sst s0;
	s0 =	simm.s32 @!p1 $0x0  }
0x14: {  	s2 =	sld [smem:$0x3F95];
	s0 =	simm.s32 @p1 $0x1  }
0x15: {  	[smem:$0x3FB2] =	sst s0;
	s0 =	simm.s32 @!p2 $0x0  }
0x16: {  	s3 =	sld [smem:$0x3FDB];
	s0 =	simm.s32 @p2 $0x1  }
0x17: {  	s4 =	simm.s32 $0x1BF5;
	[smem:$0x3FB4] =	sst s0  }
0x18: {  	s0 =	sld [smem:$0x3F97];
	_ =	swait.ge [sflag:s4], $0x0  }
0x19: {  	s7 =	sld [smem:$0x3F98]  }
0x1a: {  	s8 =	sadd.s32 $0xFFFFE003, lr  }
0x1b: {  	s9 =	sadd.s32 $0xFFFFFEF7, lr;
	s5 =	simm.s32 $0xFFFFFFFF;
	p2 =	slt.u32 s8, $0xFFFFF086  }
0x1c: {  	p1 =	slt.u32 s9, $0xF7A;
	s5 =	simm.s32 @!p2 $0x0  }
0x1d: {  	s5 =	simm.s32 @p1 $0x1;
	p0 =	seq.s32 s7, s2  }
0x1e: {  	s7 =	smul.u32 @!p0 $0xF7A, s2;
	p2 =	seq.s32 @!p0 s5, $0x0  }
0x1f: {  	s9 =	smul.u32 $0xF7A, s1;
	s8 =	simm.s32 @!p0 $0x1BF5;
	p2 =	por !p2, p0  }
0x20: {  	[sflag:s8] =	ssyncset.s32 @!p0 $0xFFFFF086;
	s6 =	sadd.s32 @!p0 s3, s7;
	s7 =	simm.s32 @!p0 $0x108  }
0x21: {  	s3 =	sadd.s32 s3, s9;
	s6 =	sadd.s32 @!p0 $0x88, s6;
	s7 =	simm.s32 @p2 $0x1082  }
0x22: {  	[simem:s7], [sflag:s8] =	dma.local @!p0 [hbm:s6], $0xF7A  }
0x23: {  	s9 =	sor.u32 $0xD0000000, s2;
	s6 =	simm.s32 $0x108;
	_ =	swait.ge @!p0 [sflag:s8], $0x0  }
0x24: {  	s3 =	sadd.s32 $0x88, s3;
	s6 =	simm.s32 @!p1 $0x1082;
	[sflag:s4] =	ssyncset.s32 $0xFFFFF086  }
0x25: {  	[simem:s6], [sflag:s4] =	dma.local [hbm:s3], $0xF7A  }
0x26: {  	[smem:$0x3F98] =	sst s1;
	(tag) =	ssettag s2;
	_ =	strace s9  }
0x27: {  	s1 =	sld [smem:$0x3FA8]  }
0x28: {  	s2 =	sld [smem:$0x3FA9]  }
0x29: {  	s4 =	sld [smem:$0x3FAB]  }
0x2a: {  	p0 =	seq.s32 s5, $0x0;
	s5 =	sld [smem:$0x3FAC]  }
0x2b: {  	s6 =	sld [smem:$0x3FAD]  }
0x2c: {  	s7 =	sld [smem:$0x3FAE]  }
0x2d: {  	s3 =	simm.s32 $0x108;
	s8 =	sld [smem:$0x3FAF]  }
0x2e: {  	s3 =	simm.s32 @!p0 $0x1082;
	s9 =	sld [smem:$0x3FB0]  }
0x2f: {  	lr =	sadd.s32 s0, s3;
	s0 =	sld [smem:$0x3FA7]  }
0x30: {  	s3 =	sld [smem:$0x3FAA]  }
0x31: {  	[smem:$0x3FB3] =	sst s10  }
0x32: {  	s10 =	sld [smem:$0x3FB1];
	_ =	sdelay $0x3  }
0x33: {  	p0 =	seq.s32 s10, $0x1;
	s10 =	sld [smem:$0x3FB3];
	_ =	sdelay $0x3  }
0x34: {  	[smem:$0x3FB3] =	sst s10  }
0x35: {  	s10 =	sld [smem:$0x3FB2];
	_ =	sdelay $0x3  }
0x36: {  	p1 =	seq.s32 s10, $0x1;
	s10 =	sld [smem:$0x3FB3];
	_ =	sdelay $0x3  }
0x37: {  	[smem:$0x3FB3] =	sst s10  }
0x38: {  	s10 =	sld [smem:$0x3FB4]  }
0x39: {  	_ = 	snop;
	(pc) =	sbr.ind lr, $3  }
0x3a: {  	_ = 	snop  }
0x3b: {  	_ = 	snop  }
0x3c: {  	p2 =	seq.s32 s10, $0x1;
	s10 =	sld [smem:$0x3FB3]  }
0x3d: {  	_ =	shalt  }
0x3e: {  	_ =	shalt  }
0x3f: {  	_ =	shalt  }
0x40: {  	_ =	shalt  }
0x41: {  	_ =	shalt  }
0x42: {  	_ =	shalt  }
0x43: {  	_ =	shalt  }
0x44: {  	_ =	shalt  }
0x45: {  	_ =	shalt  }
0x46: {  	_ =	shalt  }
0x47: {  	_ =	shalt  }
0x48: {  	_ =	shalt  }
0x49: {  	_ =	shalt  }
0x4a: {  	_ =	shalt  }
0x4b: {  	_ =	shalt  }
0x4c: {  	_ =	shalt  }
0x4d: {  	_ =	shalt  }
0x4e: {  	_ =	shalt  }
0x4f: {  	_ =	shalt  }
0x50: {  	_ =	shalt  }
0x51: {  	_ =	shalt  }
0x52: {  	_ =	shalt  }
0x53: {  	_ =	shalt  }
0x54: {  	_ =	shalt  }
0x55: {  	_ =	shalt  }
0x56: {  	_ =	shalt  }
0x57: {  	_ =	shalt  }
0x58: {  	_ =	shalt  }
0x59: {  	_ =	shalt  }
0x5a: {  	_ =	shalt  }
0x5b: {  	_ =	shalt  }
0x5c: {  	_ =	shalt  }
0x5d: {  	_ =	shalt  }
0x5e: {  	_ =	shalt  }
0x5f: {  	_ =	shalt  }
0x60: {  	_ =	shalt  }
0x61: {  	_ =	shalt  }
0x62: {  	_ =	shalt  }
0x63: {  	_ =	shalt  }
0x64: {  	_ =	shalt  }
0x65: {  	_ =	shalt  }
0x66: {  	_ =	shalt  }
0x67: {  	_ =	shalt  }
0x68: {  	_ =	shalt  }
0x69: {  	_ =	shalt  }
0x6a: {  	_ =	shalt  }
0x6b: {  	_ =	shalt  }
0x6c: {  	_ =	shalt  }
0x6d: {  	_ =	shalt  }
0x6e: {  	_ =	shalt  }
0x6f: {  	_ =	shalt  }
0x70: {  	_ =	shalt  }
0x71: {  	_ =	shalt  }
0x72: {  	_ =	shalt  }
0x73: {  	_ =	shalt  }
0x74: {  	_ =	shalt  }
0x75: {  	_ =	shalt  }
0x76: {  	_ =	shalt  }
0x77: {  	_ =	shalt  }
0x78: {  	_ =	shalt  }
0x79: {  	_ =	shalt  }
0x7a: {  	_ =	shalt  }
0x7b: {  	_ =	shalt  }
0x7c: {  	_ =	shalt  }
0x7d: {  	_ =	shalt  }
0x7e: {  	_ =	shalt  }
0x7f: {  	_ =	shalt  }
0x80: {  	_ =	shalt  }
0x81: {  	_ =	shalt  }
0x82: {  	_ =	shalt  }
0x83: {  	_ =	shalt  }
0x84: {  	_ =	shalt  }
0x85: {  	_ =	shalt  }
0x86: {  	_ =	shalt  }
0x87: {  	_ =	shalt  }
.Lfunc_end0:
.L_simem_size_0:
called_computation_lowered:
.L_overlay_start_0:
0x88: {  	s2 =	sld [smem:$0x3FD9]  }
0x89: {  	s3 =	sld [smem:$0x3FFE];
	_ =	sdelay $0x1  }
0x8a: {  	s1 =	srdreg.scid  }
0x8b: {  	s0 =	sand.u32 $0x1, s1  }
0x8c: {  	s16 =	sshll.u32 s0, $0xA;
	s2 =	sadd.s32 s3, s2  }
0x8d: {  	s2 =	sadd.s32 s2, s16  }
0x8e: {  	[smem:$0x3FBF] =	sst s2  }
0x8f: {  	_ = 	snop  }
0x90: {  	(tm) =	ssettm $0x1  }
0x91: {  	s17 =	sld [smem:$0x3FFB];
	_ =	sdelay $0x3  }
0x92: {  	_ =	strace s17  }
0x93: {  	s2 =	sld [smem:$0x3FFC];
	_ =	sdelay $0x3  }
0x94: {  	_ =	strace s2  }
0x95: {  	s2 =	sld [smem:$0x3FFD];
	_ =	sdelay $0x3  }
0x96: {  	_ =	strace s2  }
0x97: {  	_ =	strace $0x8FFFFFFF  }
0x98: {  	s18 =	sld [smem:$0x3FDB];
	_ =	sdelay $0x1  }
0x99: {  	s19 =	simm.s32 $_scs_section_size  }
0x9a: {  	s4 =	simm.s32 $_size__tile_overlayer_lowered;
	s5 =	simm.s32 $_tile_overlayer_lowered  }
0x9b: {  	s22 =	simm.s32 $0x1BFF;
	s21 =	sshll.u32 s5, $0x1;
	s2 =	sadd.s32 s19, s18  }
0x9c: {  	s6 =	simm.s32 $0x0;
	s20 =	sshll.u32 s4, $0x1;
	s4 =	sadd.s32 s21, s2  }
0x9d: {  	[timem:s6], [sflag:s22] =	dma.local [hbm:s4], s20  }
0x9e: {  	_ =	swait.ge [sflag:s22], s20  }
0x9f: {  	s3 =	ssub.s32 $0x0, s20;
	[sflag:s22] =	ssyncset.done $0x0  }
0xa0: {  	[sflag:s22] =	ssyncadd.s32 s3;
	_ =	sdelay $0x1  }
0xa1: {  	s23 =	simm.s32 $0x1B8B  }
0xa2: {  	_ =	swait.ge [sflag:s23], $0x1  }
0xa3: {  	[sflag:s23] =	ssyncset.done $0x0  }
0xa4: {  	s25 =	simm.s32 $0x1B8E;
	s24 =	sld [smem:$0x3FFE];
	[sflag:s23] =	ssyncadd.s32 $0xFFFFFFFF  }
0xa5: {  	s26 =	simm.s32 $execute0_lowered;
	[smem:$0x3FD2] =	sst s25  }
0xa6: {  	s4 =	sshll.u32 s26, $0x1;
	_ =	strace $0x80000046;
	[dreg:$0x1] =	wrdreg $0xFFFFFFFF  }
0xa7: {  	s28 =	simm.s32 $_size_execute0_lowered;
	s2 =	sadd.s32 s2, s4;
	[dreg:$0x0] =	wrdreg $0x0  }
0xa8: {  	s4 =	sshll.u32 s28, $0x1;
	[dreg:$0x2] =	wrdreg s2  }
0xa9: {  	[dreg:$0x3] =	wrdreg s4  }
0xaa: {  	[dreg:$0x4] =	wrdreg $0xC0  }
0xab: {  	_ =	task [dreg:s6], $0x5FFFF  }
0xac: {  	[dreg:$0x1] =	wrdreg $0xFFFFFFFF  }
0xad: {  	[dreg:$0x0] =	wrdreg $0x60  }
0xae: {  	[dreg:$0x2] =	wrdreg s24  }
0xaf: {  	[dreg:$0x3] =	wrdreg $0x14800  }
0xb0: {  	[dreg:$0x4] =	wrdreg $0x9  }
0xb1: {  	_ =	task.clear_ibuf [dreg:s6], $0x5FFFF;
	_ =	strace $0x90000046  }
0xb2: {  	s29 =	simm.s32 $0x9;
	_ =	strace $0x80000048  }
0xb3: {  	_ =	swait.ge [sflag:s29], $0x1  }
0xb4: {  	[sflag:s29] =	ssyncadd.s32 $0xFFFFFFFF  }
0xb5: {  	_ =	strace $0x90000048  }
0xb6: {  	_ =	sfence  }
0xb7: {  	s30 =	sld [smem:$0x0];
	_ =	sdelay $0x2  }
0xb8: {  	s31 =	sshll.u32 s1, $0xD;
	s1 =	sshrl.u32 s1, $0x2  }
0xb9: {  	s3 =	sand.u32 $0x4000, s31;
	s1 =	sadd.s32 s1, s30  }
0xba: {  	s0 =	sor.u32 s3, s0;
	s1 =	sshll.u32 s1, $0x11  }
0xbb: {  	s0 =	sor.u32 s1, s0  }
0xbc: {  	s0 =	sadd.s32 $0x8F2B, s0  }
0xbd: {  	[sflag:s0] =	ssyncadd.remote.s32 $0x1  }
0xbe: {  	_ =	sfence.sel $0xFFFF  }
0xbf: {  	[dreg:$0x0] =	wrdreg $0xFFFFFFFF;
	(pc) =	sbr.abs _section_cstart, $3  }
0xc0: {  	[dreg:$0x1] =	wrdreg $0xFFFFFFFF  }
0xc1: {  	_ =	task.clear_ibuf [dreg:s6], $0x2FFFF;
	_ =	strace $0x9FFFFFFF  }
0xc2: {  	(tm) =	ssettm $0x7FFFFFFF  }
0xc3: {  	_ =	shalt  }
tec
execute0_lowered:
.L_overlay_start_1:
0x0: {  	(tag) =	ssettag $0x1  }
0x1: {  	s1 =	srdreg.scid;
	s5 =	rddreg [dreg:$0x0]  }
0x2: {  	s0 =	stileid.u32;
	s2 =	rddreg [dreg:$0x1];
	s3 =	simm.s32 $0x0  }
0x3: {  	s12 =	simm.s32 $0x1400;
	s13 =	simm.s32 $0x20;
	s14 =	simm.s32 $0x10  }
0x4: {  	s15 =	simm.s32 $0x0;
	s4 =	sand.u32 $0x1, s1;
	s7 =	smul.u32 $0x500, s0  }
0x5: {  	s28 =	sshll.u32 s0, $0x1;
	[smem:$0x7FF] =	sst s3;
	s8 =	smul.u32 $0x280, s0  }
0x6: {  	s31 =	sshll.u32 s0, $0x6;
	s1 =	sor.u32 s4, s28;
	s9 =	sshll.u32 s4, $0x7  }
0x7: {  	s4 =	ssub.s32 $0x2, s4;
	s6 =	smul.u32 $0x280, s1;
	s1 =	rddreg [dreg:$0x2]  }
0x8: {  	_ =	strace $0x80000047;
	s7 =	sor.u32 s9, s7;
	s29 =	sshrl.u32 s8, $0x3  }
0x9: {  	s30 =	sshrl.u32 s4, $0x1;
	s11 =	sadd.s32 s8, s2;
	s7 =	sshrl.u32 s7, $0x3  }
0xa: {  	s9 =	sadd.s32 s29, s5;
	s10 =	ssub.s32 s4, s30;
	s6 =	sadd.s32 s6, s5  }
0xb: {  	s7 =	sadd.s32 s7, s5;
	s4 =	sadd.s32 $0xBE00, s9;
	s5 =	sor.u32 $0x1C01, s31  }
0xc: {  	s8 =	smax.u32 s10, $0x1;
	s9 =	sshrl.u32 s11, $0x3;
	s10 =	simm.s32 $0x1  }
0xd: {  	v0 =	vimm.f32 $1.000000000e+00;
	s11 =	simm.s32 $0x80;
	s6 =	sadd.s32 $0x6E00, s6;
	s7 =	sadd.s32 $0xC400, s7  }
.LBB2_1:
0xe: {  	[tilespmem:$0x1400] =	vst v0  }
0xf: {  	[tilespmem:$0x1410] =	vst v0  }
0x10: {  	[tilespmem:$0x1420] =	vst v0  }
0x11: {  	[tilespmem:$0x1430] =	vst v0  }
0x12: {  	[tilespmem:$0x1440] =	vst v0  }
0x13: {  	[tilespmem:$0x1450] =	vst v0  }
0x14: {  	[tilespmem:$0x1460] =	vst v0  }
0x15: {  	[tilespmem:$0x1470] =	vst v0  }
0x16: {  	[spmem:s9], [sflag:s5] =	dma.local [hbm:s4], $0x50  }
0x17: {  	_ =	swait.ge [sflag:s10], $0x50  }
0x18: {  	[sflag:s10] =	ssyncset.done $0x0  }
0x19: {  	[sflag:s10] =	ssyncadd.s32 $0xFFFFFFB0  }
0x1a: {  	[tilespmem:s3], [sflag:$0x1] =	stream.linear.gather [hbm4b:s6+s3], $0x1400, $0x38;
	[tilespmem:$0x1700] =	vst v63  }
0x1b: {  	_ =	swait.ge [sflag:s10], $0x1400  }
0x1c: {  	[sflag:s10] =	ssyncset.done $0x0  }
0x1d: {  	[sflag:s10] =	ssyncadd.s32 $0xFFFFEC00  }
0x1e: {  	s16 =	simm.s32 $0x0;
	[bflag:$0x0] =	sbarrier.arrive $0xFFFF  }
0x1f: {  	[spmem:s2] =	stream.indirect.scatter.add.f32 [tilespmem:s12], [sflag:$0x1], $0x1, s16, s11, $0xb8;
	[tilespmem:$0x1700] =	vst v63  }
0x20: {  	_ =	swait.ge [sflag:s10], $0x80  }
0x21: {  	s16 =	simm.s32 $0x200;
	[sflag:s10] =	ssyncset.done $0x0  }
.LBB2_2:
0x22: {  	s17 =	sshra.s32 s16, $0x2;
	[sflag:s10] =	ssyncadd.s32 $0xFFFFFF80;
	p0 =	sne.s32 s16, $0x4E00  }
0x23: {  	[spmem:s2] =	stream.indirect.scatter.add.f32 [tilespmem:s12], [sflag:$0x1], $0x1, s17, s11, $0xb8;
	[tilespmem:$0x1700] =	vst v63  }
.Ltmp0:
0x24: {  	_ = 	snop;
	(pc) =	sbr.rel @p0 .LBB2_2-.Ltmp0, $4  }
0x25: {  	_ = 	snop  }
0x26: {  	s16 =	sadd.s32 $0x200, s16  }
0x27: {  	_ =	swait.ge [sflag:s10], $0x80  }
0x28: {  	[sflag:s10] =	ssyncset.done $0x0  }
0x29: {  	s15 =	sadd.s32 $0x1, s15  }
0x2a: {  	[sflag:s10] =	ssyncadd.s32 $0xFFFFFF80;
	p0 =	sne.s32 s15, s8  }
.Ltmp1:
0x2b: {  	[bflag:$0x0] =	sbarrier.arrive $0xFFFF;
	(pc) =	sbr.rel @p0 .LBB2_1-.Ltmp1, $4  }
0x2c: {  	[hbm:s7@s13], [sflag:s5] =	dma.strided [spmem:s9@s14], $0x50, s10, $0x10   }
0x2d: {  	_ =	swait.ge [sflag:s10], $0x50  }
0x2e: {  	[sflag:s10] =	ssyncset.done $0x0  }
0x2f: {  	[sflag:s10] =	ssyncadd.s32 $0xFFFFFFB0  }
0x30: {  	_ =	sfence.sel $0x180000  }
0x31: {  	[bflag:$0x0] =	sbarrier.arrive $0xFFFF  }
0x32: {  	p0 =	sne.s32 s0, $0x0;
	_ =	strace $0x90000047  }
0x33: {  	s0 =	sadd.s32 @!p0 $0x100000, s1;
	[bflag:$0x2] =	sbarrier.arrive $0xFFFF  }
0x34: {  	[sflag:s0] =	ssyncadd.tile.s32 @!p0 $0x1;
	_ =	shalt  }
.Lfunc_end2:
_tile_overlayer_lowered:
.L_overlay_start_2:
0x35: {  	(tag) =	ssettag $0x2  }
0x36: {  	s0 =	rddreg [dreg:$0x0];
	s2 =	stileid.u32  }
0x37: {  	s1 =	rddreg [dreg:$0x1];
	p0 =	sne.s32 s2, $0x0  }
0x38: {  	s3 =	rddreg [dreg:$0x2];
	[bflag:$0x3] =	sbarrier.arrive $0xFFFF;
	s2 =	simm.s32 @!p0 $0x1C01  }
0x39: {  	[timem:s3], [sflag:s2] =	dma.local @!p0 [hbm:s0], s1  }
0x3a: {  	s0 =	simm.s32 @!p0 $0x1  }
0x3b: {  	_ =	swait.ge @!p0 [sflag:s0], s1  }
0x3c: {  	s1 =	ssub.s32 @!p0 $0x0, s1;
	[sflag:s0] =	ssyncset.done @!p0 $0x0  }
0x3d: {  	[sflag:s0] =	ssyncadd.s32 @!p0 s1  }
0x3e: {  	[bflag:$0x3] =	sbarrier.arrive $0xFFFF  }
0x3f: {  	_ =	shalt  }

</sc_bundles>
